<compile_context>
chip_gen: v7x
topology: tpu7x:2x2x1
jax: 0.10.2.dev20260603
libtpu: 0.0.44.dev20260713+nightly
codegen_flags: <defaults>
</compile_context>

<pallas_src>
import functools

import jax
import jax.numpy as jnp
from jax import lax
from jax.experimental import pallas as pl
from jax.experimental.pallas import tpu as pltpu
from jax.experimental.pallas import tpu_sc as plsc

NUM_EMBEDDINGS = 100000
EMBEDDING_DIM = 128
NUM_INDICES = 425984

_info = plsc.get_sparse_core_info()
NC, NS = _info.num_cores, _info.num_subcores
NW = NC * NS
B_PER_W = NUM_INDICES // NW
CHUNK = 128
NCHUNK = B_PER_W // CHUNK
NBUF = 4
LEAD = 3

_mesh = plsc.VectorSubcoreMesh(core_axis_name="c", subcore_axis_name="s")


@functools.partial(
    pl.kernel,
    mesh=_mesh,
    out_type=jax.ShapeDtypeStruct((NUM_INDICES, EMBEDDING_DIM), jnp.float32),
    scratch_types=[
        pltpu.VMEM((NCHUNK, CHUNK), jnp.int32),
        pltpu.VMEM((NBUF, CHUNK, EMBEDDING_DIM), jnp.float32),
    ]
    + [pltpu.SemaphoreType.DMA] * (2 * NBUF),
)
def _sc_gather(idx_hbm, table_hbm, out_hbm, idx_v, rows_v, *sems):
    gsem, wsem = sems[:NBUF], sems[NBUF:]
    wid = lax.axis_index("s") * NC + lax.axis_index("c")
    base = wid * B_PER_W
    pltpu.sync_copy(idx_hbm.at[wid], idx_v)

    def gather_wait(b):
        pltpu.make_async_copy(
            table_hbm.at[pl.ds(0, CHUNK)], rows_v.at[b], gsem[b]
        ).wait()

    def write_wait(b):
        pltpu.make_async_copy(
            rows_v.at[b], out_hbm.at[pl.ds(0, CHUNK)], wsem[b]
        ).wait()

    for j in range(LEAD):
        pltpu.async_copy(table_hbm.at[idx_v.at[j]], rows_v.at[j % NBUF], gsem[j % NBUF])

    def body(i, carry):
        for b in range(NBUF):
            j = i * NBUF + b
            jn = j + LEAD
            bn = (b + LEAD) % NBUF

            @pl.when(jn < NCHUNK)
            def _():
                @pl.when(jn >= NBUF)
                def _():
                    write_wait(bn)

                pltpu.async_copy(table_hbm.at[idx_v.at[jn]], rows_v.at[bn], gsem[bn])

            gather_wait(b)
            pltpu.async_copy(
                rows_v.at[b],
                out_hbm.at[pl.ds(base + j * CHUNK, CHUNK)],
                wsem[b],
            )
        return carry

    lax.fori_loop(0, NCHUNK // NBUF, body, 0)
    for b in range(NBUF):
        write_wait(b)


def kernel(indice, table):
    idx3 = indice.reshape(NW, NCHUNK, CHUNK)
    return _sc_gather(idx3, table)

# --- scband reference (transcript-rebuilt; emitter-appended) ---
"""Pipeline reference for scband-whole-memory-embedding-module-41790031790352 (READ-ONLY COPY).

The authoritative reference and input builder live on the scoring server;
editing this copy changes nothing except your own understanding.
"""

import jax, jax.numpy as jnp
import numpy as np

NUM_EMBEDDINGS = 100000
EMBEDDING_DIM = 128
NUM_INDICES = 425984


def setup_inputs(seed: int = 0) -> dict:
    key = jax.random.key(seed)
    k1, k2 = jax.random.split(key)
    indice = jax.random.randint(k1, (NUM_INDICES,), 0, NUM_EMBEDDINGS, dtype=jnp.int32)
    table = jax.random.normal(k2, (NUM_EMBEDDINGS, EMBEDDING_DIM), dtype=jnp.float32) * 0.01
    return {"indice": indice, "table": table}


def reference(indice, table):
    # WholeMemoryEmbeddingModule.forward -> EmbeddingLookupFn.forward -> wm_embedding.gather(indice)
    # gather: output[i, :] = table[indice[i], :]; force_dtype=None keeps table dtype (float32)
    assert indice.ndim == 1
    out = jnp.take(table, indice, axis=0)
    return out

if __name__ == "__main__":
    import jax
    _d = setup_inputs()
    print(jax.jit(kernel)(*tuple(_d.values())))

</pallas_src>

<mosaic_0001>
#map = affine_map<(d0, d1) -> (0, 0, 0)>
#map1 = affine_map<(d0, d1) -> (0, 0)>
module attributes {stable_mosaic.version = 14 : i64} {
  func.func @_sc_gather(%arg0: i32, %arg1: i32, %arg2: memref<32x104x128xi32, #tpu.memory_space<hbm>>, %arg3: memref<100000x128xf32, #tpu.memory_space<hbm>>, %arg4: memref<425984x128xf32, #tpu.memory_space<hbm>>, %arg5: memref<104x128xi32, #tpu.memory_space<vmem>>, %arg6: memref<4x128x128xf32, #tpu.memory_space<vmem>>, %arg7: memref<!tpu.dma_semaphore, #tpu.memory_space<semaphore_mem>>, %arg8: memref<!tpu.dma_semaphore, #tpu.memory_space<semaphore_mem>>, %arg9: memref<!tpu.dma_semaphore, #tpu.memory_space<semaphore_mem>>, %arg10: memref<!tpu.dma_semaphore, #tpu.memory_space<semaphore_mem>>, %arg11: memref<!tpu.dma_semaphore, #tpu.memory_space<semaphore_mem>>, %arg12: memref<!tpu.dma_semaphore, #tpu.memory_space<semaphore_mem>>, %arg13: memref<!tpu.dma_semaphore, #tpu.memory_space<semaphore_mem>>, %arg14: memref<!tpu.dma_semaphore, #tpu.memory_space<semaphore_mem>>) attributes {dimension_semantics = [#tpu.dimension_semantics<core_parallel>, #tpu.dimension_semantics<subcore_parallel>], iteration_bounds = array<i64: 2, 16>, scalar_prefetch = 0 : i64, scratch_operands = 10 : i64, tpu.core_type = #tpu.core_type<sc_vector_subcore>, window_params = [{transform_indices = #map}, {transform_indices = #map1}, {transform_indices = #map1}]} {
    %mul3A = arith.constant 2 : i32
    %mul3A_0 = arith.muli %arg1, %mul3A : i32
    %add3A = arith.addi %mul3A_0, %arg0 : i32
    %mul3A_1 = arith.constant 13312 : i32
    %mul3A_2 = arith.muli %add3A, %mul3A_1 : i32
    "tpu.region"() ({
      %run_scoped3A = tpu.sem_alloc : memref<!tpu.dma_semaphore, #tpu.memory_space<semaphore_mem>>
      %dma_start3A_102 = arith.constant 0 : i32
      %dma_start3A_103 = arith.constant 0 : i32
      %dma_start3A_104 = tpu.memref_slice %arg2[%add3A, %dma_start3A_102, %dma_start3A_103] : memref<32x104x128xi32, #tpu.memory_space<hbm>> -> memref<1x104x128xi32, #tpu.memory_space<hbm>>
      %dma_start3A_105 = tpu.memref_squeeze %dma_start3A_104 : memref<1x104x128xi32, #tpu.memory_space<hbm>> -> memref<104x128xi32, #tpu.memory_space<hbm>>
      %dma_start3A_106 = arith.constant 0 : i32
      %dma_start3A_107 = arith.constant 0 : i32
      %dma_start3A_108 = tpu.memref_slice %arg2[%add3A, %dma_start3A_106, %dma_start3A_107] : memref<32x104x128xi32, #tpu.memory_space<hbm>> -> memref<1x104x128xi32, #tpu.memory_space<hbm>>
      %dma_start3A_109 = tpu.memref_squeeze %dma_start3A_108 : memref<1x104x128xi32, #tpu.memory_space<hbm>> -> memref<104x128xi32, #tpu.memory_space<hbm>>
      tpu.enqueue_dma source(%dma_start3A_109 : memref<104x128xi32, #tpu.memory_space<hbm>>) target(%arg5 : memref<104x128xi32, #tpu.memory_space<vmem>>) target_semaphore(%run_scoped3A : memref<!tpu.dma_semaphore, #tpu.memory_space<semaphore_mem>>)
      %dma_wait3A_110 = arith.constant 0 : i32
      %dma_wait3A_111 = arith.constant 0 : i32
      %dma_wait3A_112 = tpu.memref_slice %arg2[%add3A, %dma_wait3A_110, %dma_wait3A_111] : memref<32x104x128xi32, #tpu.memory_space<hbm>> -> memref<1x104x128xi32, #tpu.memory_space<hbm>>
      %dma_wait3A_113 = tpu.memref_squeeze %dma_wait3A_112 : memref<1x104x128xi32, #tpu.memory_space<hbm>> -> memref<104x128xi32, #tpu.memory_space<hbm>>
      %dma_wait3A_114 = arith.constant 0 : i32
      %dma_wait3A_115 = arith.constant 0 : i32
      %dma_wait3A_116 = tpu.memref_slice %arg2[%add3A, %dma_wait3A_114, %dma_wait3A_115] : memref<32x104x128xi32, #tpu.memory_space<hbm>> -> memref<1x104x128xi32, #tpu.memory_space<hbm>>
      %dma_wait3A_117 = tpu.memref_squeeze %dma_wait3A_116 : memref<1x104x128xi32, #tpu.memory_space<hbm>> -> memref<104x128xi32, #tpu.memory_space<hbm>>
      tpu.wait_dma2 semaphore(%run_scoped3A : memref<!tpu.dma_semaphore, #tpu.memory_space<semaphore_mem>>) src(%dma_wait3A_117 : memref<104x128xi32, #tpu.memory_space<hbm>>) dst(%arg5 : memref<104x128xi32, #tpu.memory_space<vmem>>)
      tpu.yield
    }) : () -> ()
    %dma_start3A = arith.constant 0 : i32
    %dma_start3A_3 = arith.constant 0 : i32
    %dma_start3A_4 = arith.constant 0 : i32
    %dma_start3A_5 = arith.constant 0 : i32
    %dma_start3A_6 = tpu.memref_slice %arg6[%dma_start3A_3, %dma_start3A_4, %dma_start3A_5] : memref<4x128x128xf32, #tpu.memory_space<vmem>> -> memref<1x128x128xf32, #tpu.memory_space<vmem>>
    %dma_start3A_7 = tpu.memref_squeeze %dma_start3A_6 : memref<1x128x128xf32, #tpu.memory_space<vmem>> -> memref<128x128xf32, #tpu.memory_space<vmem>>
    %dma_start3A_8 = arith.constant 0 : i32
    %dma_start3A_9 = tpu.memref_slice %arg5[%dma_start3A, %dma_start3A_8] : memref<104x128xi32, #tpu.memory_space<vmem>> -> memref<1x128xi32, #tpu.memory_space<vmem>>
    %dma_start3A_10 = tpu.memref_squeeze %dma_start3A_9 : memref<1x128xi32, #tpu.memory_space<vmem>> -> memref<128xi32, #tpu.memory_space<vmem>>
    %dma_start3A_11 = arith.constant 0 : i32
    %dma_start3A_12 = arith.constant 0 : i32
    %dma_start3A_13 = tpu.memref_slice %arg3[%dma_start3A_11, %dma_start3A_12] : memref<100000x128xf32, #tpu.memory_space<hbm>> -> memref<100000x128xf32, #tpu.memory_space<hbm>>
    tpu.enqueue_indirect_dma source(%dma_start3A_13 : memref<100000x128xf32, #tpu.memory_space<hbm>>) target(%dma_start3A_7 : memref<128x128xf32, #tpu.memory_space<vmem>>) offsets(%dma_start3A_10 : memref<128xi32, #tpu.memory_space<vmem>>) semaphore(%arg7 : memref<!tpu.dma_semaphore, #tpu.memory_space<semaphore_mem>>)
    %dma_start3A_14 = arith.constant 1 : i32
    %dma_start3A_15 = arith.constant 1 : i32
    %dma_start3A_16 = arith.constant 0 : i32
    %dma_start3A_17 = arith.constant 0 : i32
    %dma_start3A_18 = tpu.memref_slice %arg6[%dma_start3A_15, %dma_start3A_16, %dma_start3A_17] : memref<4x128x128xf32, #tpu.memory_space<vmem>> -> memref<1x128x128xf32, #tpu.memory_space<vmem>>
    %dma_start3A_19 = tpu.memref_squeeze %dma_start3A_18 : memref<1x128x128xf32, #tpu.memory_space<vmem>> -> memref<128x128xf32, #tpu.memory_space<vmem>>
    %dma_start3A_20 = arith.constant 0 : i32
    %dma_start3A_21 = tpu.memref_slice %arg5[%dma_start3A_14, %dma_start3A_20] : memref<104x128xi32, #tpu.memory_space<vmem>> -> memref<1x128xi32, #tpu.memory_space<vmem>>
    %dma_start3A_22 = tpu.memref_squeeze %dma_start3A_21 : memref<1x128xi32, #tpu.memory_space<vmem>> -> memref<128xi32, #tpu.memory_space<vmem>>
    %dma_start3A_23 = arith.constant 0 : i32
    %dma_start3A_24 = arith.constant 0 : i32
    %dma_start3A_25 = tpu.memref_slice %arg3[%dma_start3A_23, %dma_start3A_24] : memref<100000x128xf32, #tpu.memory_space<hbm>> -> memref<100000x128xf32, #tpu.memory_space<hbm>>
    tpu.enqueue_indirect_dma source(%dma_start3A_25 : memref<100000x128xf32, #tpu.memory_space<hbm>>) target(%dma_start3A_19 : memref<128x128xf32, #tpu.memory_space<vmem>>) offsets(%dma_start3A_22 : memref<128xi32, #tpu.memory_space<vmem>>) semaphore(%arg8 : memref<!tpu.dma_semaphore, #tpu.memory_space<semaphore_mem>>)
    %dma_start3A_26 = arith.constant 2 : i32
    %dma_start3A_27 = arith.constant 2 : i32
    %dma_start3A_28 = arith.constant 0 : i32
    %dma_start3A_29 = arith.constant 0 : i32
    %dma_start3A_30 = tpu.memref_slice %arg6[%dma_start3A_27, %dma_start3A_28, %dma_start3A_29] : memref<4x128x128xf32, #tpu.memory_space<vmem>> -> memref<1x128x128xf32, #tpu.memory_space<vmem>>
    %dma_start3A_31 = tpu.memref_squeeze %dma_start3A_30 : memref<1x128x128xf32, #tpu.memory_space<vmem>> -> memref<128x128xf32, #tpu.memory_space<vmem>>
    %dma_start3A_32 = arith.constant 0 : i32
    %dma_start3A_33 = tpu.memref_slice %arg5[%dma_start3A_26, %dma_start3A_32] : memref<104x128xi32, #tpu.memory_space<vmem>> -> memref<1x128xi32, #tpu.memory_space<vmem>>
    %dma_start3A_34 = tpu.memref_squeeze %dma_start3A_33 : memref<1x128xi32, #tpu.memory_space<vmem>> -> memref<128xi32, #tpu.memory_space<vmem>>
    %dma_start3A_35 = arith.constant 0 : i32
    %dma_start3A_36 = arith.constant 0 : i32
    %dma_start3A_37 = tpu.memref_slice %arg3[%dma_start3A_35, %dma_start3A_36] : memref<100000x128xf32, #tpu.memory_space<hbm>> -> memref<100000x128xf32, #tpu.memory_space<hbm>>
    tpu.enqueue_indirect_dma source(%dma_start3A_37 : memref<100000x128xf32, #tpu.memory_space<hbm>>) target(%dma_start3A_31 : memref<128x128xf32, #tpu.memory_space<vmem>>) offsets(%dma_start3A_34 : memref<128xi32, #tpu.memory_space<vmem>>) semaphore(%arg9 : memref<!tpu.dma_semaphore, #tpu.memory_space<semaphore_mem>>)
    %scan3A = arith.constant 0 : i32
    %scan3A_38 = arith.constant 0 : i32
    %scan3A_39 = arith.constant 26 : i32
    %scan3A_40 = arith.addi %scan3A_38, %scan3A_39 : i32
    %scan3A_41 = arith.constant 1 : i32
    scf.for %scan3A_102 = %scan3A_38 to %scan3A_40 step %scan3A_41  : i32 {
      %mul3A_103 = arith.constant 4 : i32
      %mul3A_104 = arith.muli %scan3A_102, %mul3A_103 : i32
      %add3A_105 = arith.constant 0 : i32
      %add3A_106 = arith.addi %mul3A_104, %add3A_105 : i32
      %add3A_107 = arith.constant 3 : i32
      %add3A_108 = arith.addi %add3A_106, %add3A_107 : i32
      %lt3A = arith.constant 104 : i32
      %lt3A_109 = arith.cmpi slt, %add3A_108, %lt3A : i32
      %convert_element_type3A = arith.extui %lt3A_109 : i1 to i32
      %cond3A = arith.constant 0 : i32
      %cond3A_110 = arith.cmpi ne, %convert_element_type3A, %cond3A : i32
      scf.if %cond3A_110 {
        %ge3A = arith.constant 4 : i32
        %ge3A_268 = arith.cmpi sge, %add3A_108, %ge3A : i32
        %convert_element_type3A_269 = arith.extui %ge3A_268 : i1 to i32
        %cond3A_270 = arith.constant 0 : i32
        %cond3A_271 = arith.cmpi ne, %convert_element_type3A_269, %cond3A_270 : i32
        scf.if %cond3A_271 {
          %dma_wait3A_283 = arith.constant 3 : i32
          %dma_wait3A_284 = arith.constant 0 : i32
          %dma_wait3A_285 = arith.constant 0 : i32
          %dma_wait3A_286 = tpu.memref_slice %arg6[%dma_wait3A_283, %dma_wait3A_284, %dma_wait3A_285] : memref<4x128x128xf32, #tpu.memory_space<vmem>> -> memref<1x128x128xf32, #tpu.memory_space<vmem>>
          %dma_wait3A_287 = tpu.memref_squeeze %dma_wait3A_286 : memref<1x128x128xf32, #tpu.memory_space<vmem>> -> memref<128x128xf32, #tpu.memory_space<vmem>>
          %dma_wait3A_288 = arith.constant 0 : i32
          %dma_wait3A_289 = arith.constant 0 : i32
          %dma_wait3A_290 = tpu.memref_slice %arg4[%dma_wait3A_288, %dma_wait3A_289] : memref<425984x128xf32, #tpu.memory_space<hbm>> -> memref<128x128xf32, #tpu.memory_space<hbm>>
          %dma_wait3A_291 = arith.constant 0 : i32
          %dma_wait3A_292 = arith.constant 0 : i32
          %dma_wait3A_293 = tpu.memref_slice %arg4[%dma_wait3A_291, %dma_wait3A_292] : memref<425984x128xf32, #tpu.memory_space<hbm>> -> memref<128x128xf32, #tpu.memory_space<hbm>>
          %dma_wait3A_294 = arith.constant 0 : i32
          %dma_wait3A_295 = arith.constant 0 : i32
          %dma_wait3A_296 = tpu.memref_slice %arg6[%dma_wait3A_283, %dma_wait3A_294, %dma_wait3A_295] : memref<4x128x128xf32, #tpu.memory_space<vmem>> -> memref<1x128x128xf32, #tpu.memory_space<vmem>>
          %dma_wait3A_297 = tpu.memref_squeeze %dma_wait3A_296 : memref<1x128x128xf32, #tpu.memory_space<vmem>> -> memref<128x128xf32, #tpu.memory_space<vmem>>
          tpu.wait_dma2 semaphore(%arg14 : memref<!tpu.dma_semaphore, #tpu.memory_space<semaphore_mem>>) src(%dma_wait3A_297 : memref<128x128xf32, #tpu.memory_space<vmem>>) dst(%dma_wait3A_293 : memref<128x128xf32, #tpu.memory_space<hbm>>)
        } else {
        }
        %dma_start3A_272 = arith.constant 3 : i32
        %dma_start3A_273 = arith.constant 0 : i32
        %dma_start3A_274 = arith.constant 0 : i32
        %dma_start3A_275 = tpu.memref_slice %arg6[%dma_start3A_272, %dma_start3A_273, %dma_start3A_274] : memref<4x128x128xf32, #tpu.memory_space<vmem>> -> memref<1x128x128xf32, #tpu.memory_space<vmem>>
        %dma_start3A_276 = tpu.memref_squeeze %dma_start3A_275 : memref<1x128x128xf32, #tpu.memory_space<vmem>> -> memref<128x128xf32, #tpu.memory_space<vmem>>
        %dma_start3A_277 = arith.constant 0 : i32
        %dma_start3A_278 = tpu.memref_slice %arg5[%add3A_108, %dma_start3A_277] : memref<104x128xi32, #tpu.memory_space<vmem>> -> memref<1x128xi32, #tpu.memory_space<vmem>>
        %dma_start3A_279 = tpu.memref_squeeze %dma_start3A_278 : memref<1x128xi32, #tpu.memory_space<vmem>> -> memref<128xi32, #tpu.memory_space<vmem>>
        %dma_start3A_280 = arith.constant 0 : i32
        %dma_start3A_281 = arith.constant 0 : i32
        %dma_start3A_282 = tpu.memref_slice %arg3[%dma_start3A_280, %dma_start3A_281] : memref<100000x128xf32, #tpu.memory_space<hbm>> -> memref<100000x128xf32, #tpu.memory_space<hbm>>
        tpu.enqueue_indirect_dma source(%dma_start3A_282 : memref<100000x128xf32, #tpu.memory_space<hbm>>) target(%dma_start3A_276 : memref<128x128xf32, #tpu.memory_space<vmem>>) offsets(%dma_start3A_279 : memref<128xi32, #tpu.memory_space<vmem>>) semaphore(%arg10 : memref<!tpu.dma_semaphore, #tpu.memory_space<semaphore_mem>>)
      } else {
      }
      %dma_wait3A_111 = arith.constant 0 : i32
      %dma_wait3A_112 = arith.constant 0 : i32
      %dma_wait3A_113 = arith.constant 0 : i32
      %dma_wait3A_114 = tpu.memref_slice %arg6[%dma_wait3A_111, %dma_wait3A_112, %dma_wait3A_113] : memref<4x128x128xf32, #tpu.memory_space<vmem>> -> memref<1x128x128xf32, #tpu.memory_space<vmem>>
      %dma_wait3A_115 = tpu.memref_squeeze %dma_wait3A_114 : memref<1x128x128xf32, #tpu.memory_space<vmem>> -> memref<128x128xf32, #tpu.memory_space<vmem>>
      %dma_wait3A_116 = arith.constant 0 : i32
      %dma_wait3A_117 = arith.constant 0 : i32
      %dma_wait3A_118 = tpu.memref_slice %arg3[%dma_wait3A_116, %dma_wait3A_117] : memref<100000x128xf32, #tpu.memory_space<hbm>> -> memref<128x128xf32, #tpu.memory_space<hbm>>
      %dma_wait3A_119 = arith.constant 0 : i32
      %dma_wait3A_120 = arith.constant 0 : i32
      %dma_wait3A_121 = tpu.memref_slice %arg6[%dma_wait3A_111, %dma_wait3A_119, %dma_wait3A_120] : memref<4x128x128xf32, #tpu.memory_space<vmem>> -> memref<1x128x128xf32, #tpu.memory_space<vmem>>
      %dma_wait3A_122 = tpu.memref_squeeze %dma_wait3A_121 : memref<1x128x128xf32, #tpu.memory_space<vmem>> -> memref<128x128xf32, #tpu.memory_space<vmem>>
      %dma_wait3A_123 = arith.constant 0 : i32
      %dma_wait3A_124 = arith.constant 0 : i32
      %dma_wait3A_125 = tpu.memref_slice %arg3[%dma_wait3A_123, %dma_wait3A_124] : memref<100000x128xf32, #tpu.memory_space<hbm>> -> memref<128x128xf32, #tpu.memory_space<hbm>>
      tpu.wait_dma2 semaphore(%arg7 : memref<!tpu.dma_semaphore, #tpu.memory_space<semaphore_mem>>) src(%dma_wait3A_125 : memref<128x128xf32, #tpu.memory_space<hbm>>) dst(%dma_wait3A_122 : memref<128x128xf32, #tpu.memory_space<vmem>>)
      %mul3A_126 = arith.constant 128 : i32
      %mul3A_127 = arith.muli %add3A_106, %mul3A_126 : i32
      %add3A_128 = arith.addi %mul3A_2, %mul3A_127 : i32
      %dma_start3A_129 = arith.constant 0 : i32
      %dma_start3A_130 = arith.constant 0 : i32
      %dma_start3A_131 = arith.constant 0 : i32
      %dma_start3A_132 = tpu.memref_slice %arg6[%dma_start3A_129, %dma_start3A_130, %dma_start3A_131] : memref<4x128x128xf32, #tpu.memory_space<vmem>> -> memref<1x128x128xf32, #tpu.memory_space<vmem>>
      %dma_start3A_133 = tpu.memref_squeeze %dma_start3A_132 : memref<1x128x128xf32, #tpu.memory_space<vmem>> -> memref<128x128xf32, #tpu.memory_space<vmem>>
      %dma_start3A_134 = arith.constant 0 : i32
      %dma_start3A_135 = tpu.memref_slice %arg4[%add3A_128, %dma_start3A_134] : memref<425984x128xf32, #tpu.memory_space<hbm>> -> memref<128x128xf32, #tpu.memory_space<hbm>>
      %dma_start3A_136 = arith.constant 0 : i32
      %dma_start3A_137 = tpu.memref_slice %arg4[%add3A_128, %dma_start3A_136] : memref<425984x128xf32, #tpu.memory_space<hbm>> -> memref<128x128xf32, #tpu.memory_space<hbm>>
      %dma_start3A_138 = arith.constant 0 : i32
      %dma_start3A_139 = arith.constant 0 : i32
      %dma_start3A_140 = tpu.memref_slice %arg6[%dma_start3A_129, %dma_start3A_138, %dma_start3A_139] : memref<4x128x128xf32, #tpu.memory_space<vmem>> -> memref<1x128x128xf32, #tpu.memory_space<vmem>>
      %dma_start3A_141 = tpu.memref_squeeze %dma_start3A_140 : memref<1x128x128xf32, #tpu.memory_space<vmem>> -> memref<128x128xf32, #tpu.memory_space<vmem>>
      tpu.enqueue_dma source(%dma_start3A_141 : memref<128x128xf32, #tpu.memory_space<vmem>>) target(%dma_start3A_137 : memref<128x128xf32, #tpu.memory_space<hbm>>) target_semaphore(%arg11 : memref<!tpu.dma_semaphore, #tpu.memory_space<semaphore_mem>>)
      %mul3A_142 = arith.constant 4 : i32
      %mul3A_143 = arith.muli %scan3A_102, %mul3A_142 : i32
      %add3A_144 = arith.constant 1 : i32
      %add3A_145 = arith.addi %mul3A_143, %add3A_144 : i32
      %add3A_146 = arith.constant 3 : i32
      %add3A_147 = arith.addi %add3A_145, %add3A_146 : i32
      %lt3A_148 = arith.constant 104 : i32
      %lt3A_149 = arith.cmpi slt, %add3A_147, %lt3A_148 : i32
      %convert_element_type3A_150 = arith.extui %lt3A_149 : i1 to i32
      %cond3A_151 = arith.constant 0 : i32
      %cond3A_152 = arith.cmpi ne, %convert_element_type3A_150, %cond3A_151 : i32
      scf.if %cond3A_152 {
        %ge3A = arith.constant 4 : i32
        %ge3A_268 = arith.cmpi sge, %add3A_147, %ge3A : i32
        %convert_element_type3A_269 = arith.extui %ge3A_268 : i1 to i32
        %cond3A_270 = arith.constant 0 : i32
        %cond3A_271 = arith.cmpi ne, %convert_element_type3A_269, %cond3A_270 : i32
        scf.if %cond3A_271 {
          %dma_wait3A_283 = arith.constant 0 : i32
          %dma_wait3A_284 = arith.constant 0 : i32
          %dma_wait3A_285 = arith.constant 0 : i32
          %dma_wait3A_286 = tpu.memref_slice %arg6[%dma_wait3A_283, %dma_wait3A_284, %dma_wait3A_285] : memref<4x128x128xf32, #tpu.memory_space<vmem>> -> memref<1x128x128xf32, #tpu.memory_space<vmem>>
          %dma_wait3A_287 = tpu.memref_squeeze %dma_wait3A_286 : memref<1x128x128xf32, #tpu.memory_space<vmem>> -> memref<128x128xf32, #tpu.memory_space<vmem>>
          %dma_wait3A_288 = arith.constant 0 : i32
          %dma_wait3A_289 = arith.constant 0 : i32
          %dma_wait3A_290 = tpu.memref_slice %arg4[%dma_wait3A_288, %dma_wait3A_289] : memref<425984x128xf32, #tpu.memory_space<hbm>> -> memref<128x128xf32, #tpu.memory_space<hbm>>
          %dma_wait3A_291 = arith.constant 0 : i32
          %dma_wait3A_292 = arith.constant 0 : i32
          %dma_wait3A_293 = tpu.memref_slice %arg4[%dma_wait3A_291, %dma_wait3A_292] : memref<425984x128xf32, #tpu.memory_space<hbm>> -> memref<128x128xf32, #tpu.memory_space<hbm>>
          %dma_wait3A_294 = arith.constant 0 : i32
          %dma_wait3A_295 = arith.constant 0 : i32
          %dma_wait3A_296 = tpu.memref_slice %arg6[%dma_wait3A_283, %dma_wait3A_294, %dma_wait3A_295] : memref<4x128x128xf32, #tpu.memory_space<vmem>> -> memref<1x128x128xf32, #tpu.memory_space<vmem>>
          %dma_wait3A_297 = tpu.memref_squeeze %dma_wait3A_296 : memref<1x128x128xf32, #tpu.memory_space<vmem>> -> memref<128x128xf32, #tpu.memory_space<vmem>>
          tpu.wait_dma2 semaphore(%arg11 : memref<!tpu.dma_semaphore, #tpu.memory_space<semaphore_mem>>) src(%dma_wait3A_297 : memref<128x128xf32, #tpu.memory_space<vmem>>) dst(%dma_wait3A_293 : memref<128x128xf32, #tpu.memory_space<hbm>>)
        } else {
        }
        %dma_start3A_272 = arith.constant 0 : i32
        %dma_start3A_273 = arith.constant 0 : i32
        %dma_start3A_274 = arith.constant 0 : i32
        %dma_start3A_275 = tpu.memref_slice %arg6[%dma_start3A_272, %dma_start3A_273, %dma_start3A_274] : memref<4x128x128xf32, #tpu.memory_space<vmem>> -> memref<1x128x128xf32, #tpu.memory_space<vmem>>
        %dma_start3A_276 = tpu.memref_squeeze %dma_start3A_275 : memref<1x128x128xf32, #tpu.memory_space<vmem>> -> memref<128x128xf32, #tpu.memory_space<vmem>>
        %dma_start3A_277 = arith.constant 0 : i32
        %dma_start3A_278 = tpu.memref_slice %arg5[%add3A_147, %dma_start3A_277] : memref<104x128xi32, #tpu.memory_space<vmem>> -> memref<1x128xi32, #tpu.memory_space<vmem>>
        %dma_start3A_279 = tpu.memref_squeeze %dma_start3A_278 : memref<1x128xi32, #tpu.memory_space<vmem>> -> memref<128xi32, #tpu.memory_space<vmem>>
        %dma_start3A_280 = arith.constant 0 : i32
        %dma_start3A_281 = arith.constant 0 : i32
        %dma_start3A_282 = tpu.memref_slice %arg3[%dma_start3A_280, %dma_start3A_281] : memref<100000x128xf32, #tpu.memory_space<hbm>> -> memref<100000x128xf32, #tpu.memory_space<hbm>>
        tpu.enqueue_indirect_dma source(%dma_start3A_282 : memref<100000x128xf32, #tpu.memory_space<hbm>>) target(%dma_start3A_276 : memref<128x128xf32, #tpu.memory_space<vmem>>) offsets(%dma_start3A_279 : memref<128xi32, #tpu.memory_space<vmem>>) semaphore(%arg7 : memref<!tpu.dma_semaphore, #tpu.memory_space<semaphore_mem>>)
      } else {
      }
      %dma_wait3A_153 = arith.constant 1 : i32
      %dma_wait3A_154 = arith.constant 0 : i32
      %dma_wait3A_155 = arith.constant 0 : i32
      %dma_wait3A_156 = tpu.memref_slice %arg6[%dma_wait3A_153, %dma_wait3A_154, %dma_wait3A_155] : memref<4x128x128xf32, #tpu.memory_space<vmem>> -> memref<1x128x128xf32, #tpu.memory_space<vmem>>
      %dma_wait3A_157 = tpu.memref_squeeze %dma_wait3A_156 : memref<1x128x128xf32, #tpu.memory_space<vmem>> -> memref<128x128xf32, #tpu.memory_space<vmem>>
      %dma_wait3A_158 = arith.constant 0 : i32
      %dma_wait3A_159 = arith.constant 0 : i32
      %dma_wait3A_160 = tpu.memref_slice %arg3[%dma_wait3A_158, %dma_wait3A_159] : memref<100000x128xf32, #tpu.memory_space<hbm>> -> memref<128x128xf32, #tpu.memory_space<hbm>>
      %dma_wait3A_161 = arith.constant 0 : i32
      %dma_wait3A_162 = arith.constant 0 : i32
      %dma_wait3A_163 = tpu.memref_slice %arg6[%dma_wait3A_153, %dma_wait3A_161, %dma_wait3A_162] : memref<4x128x128xf32, #tpu.memory_space<vmem>> -> memref<1x128x128xf32, #tpu.memory_space<vmem>>
      %dma_wait3A_164 = tpu.memref_squeeze %dma_wait3A_163 : memref<1x128x128xf32, #tpu.memory_space<vmem>> -> memref<128x128xf32, #tpu.memory_space<vmem>>
      %dma_wait3A_165 = arith.constant 0 : i32
      %dma_wait3A_166 = arith.constant 0 : i32
      %dma_wait3A_167 = tpu.memref_slice %arg3[%dma_wait3A_165, %dma_wait3A_166] : memref<100000x128xf32, #tpu.memory_space<hbm>> -> memref<128x128xf32, #tpu.memory_space<hbm>>
      tpu.wait_dma2 semaphore(%arg8 : memref<!tpu.dma_semaphore, #tpu.memory_space<semaphore_mem>>) src(%dma_wait3A_167 : memref<128x128xf32, #tpu.memory_space<hbm>>) dst(%dma_wait3A_164 : memref<128x128xf32, #tpu.memory_space<vmem>>)
      %mul3A_168 = arith.constant 128 : i32
      %mul3A_169 = arith.muli %add3A_145, %mul3A_168 : i32
      %add3A_170 = arith.addi %mul3A_2, %mul3A_169 : i32
      %dma_start3A_171 = arith.constant 1 : i32
      %dma_start3A_172 = arith.constant 0 : i32
      %dma_start3A_173 = arith.constant 0 : i32
      %dma_start3A_174 = tpu.memref_slice %arg6[%dma_start3A_171, %dma_start3A_172, %dma_start3A_173] : memref<4x128x128xf32, #tpu.memory_space<vmem>> -> memref<1x128x128xf32, #tpu.memory_space<vmem>>
      %dma_start3A_175 = tpu.memref_squeeze %dma_start3A_174 : memref<1x128x128xf32, #tpu.memory_space<vmem>> -> memref<128x128xf32, #tpu.memory_space<vmem>>
      %dma_start3A_176 = arith.constant 0 : i32
      %dma_start3A_177 = tpu.memref_slice %arg4[%add3A_170, %dma_start3A_176] : memref<425984x128xf32, #tpu.memory_space<hbm>> -> memref<128x128xf32, #tpu.memory_space<hbm>>
      %dma_start3A_178 = arith.constant 0 : i32
      %dma_start3A_179 = tpu.memref_slice %arg4[%add3A_170, %dma_start3A_178] : memref<425984x128xf32, #tpu.memory_space<hbm>> -> memref<128x128xf32, #tpu.memory_space<hbm>>
      %dma_start3A_180 = arith.constant 0 : i32
      %dma_start3A_181 = arith.constant 0 : i32
      %dma_start3A_182 = tpu.memref_slice %arg6[%dma_start3A_171, %dma_start3A_180, %dma_start3A_181] : memref<4x128x128xf32, #tpu.memory_space<vmem>> -> memref<1x128x128xf32, #tpu.memory_space<vmem>>
      %dma_start3A_183 = tpu.memref_squeeze %dma_start3A_182 : memref<1x128x128xf32, #tpu.memory_space<vmem>> -> memref<128x128xf32, #tpu.memory_space<vmem>>
      tpu.enqueue_dma source(%dma_start3A_183 : memref<128x128xf32, #tpu.memory_space<vmem>>) target(%dma_start3A_179 : memref<128x128xf32, #tpu.memory_space<hbm>>) target_semaphore(%arg12 : memref<!tpu.dma_semaphore, #tpu.memory_space<semaphore_mem>>)
      %mul3A_184 = arith.constant 4 : i32
      %mul3A_185 = arith.muli %scan3A_102, %mul3A_184 : i32
      %add3A_186 = arith.constant 2 : i32
      %add3A_187 = arith.addi %mul3A_185, %add3A_186 : i32
      %add3A_188 = arith.constant 3 : i32
      %add3A_189 = arith.addi %add3A_187, %add3A_188 : i32
      %lt3A_190 = arith.constant 104 : i32
      %lt3A_191 = arith.cmpi slt, %add3A_189, %lt3A_190 : i32
      %convert_element_type3A_192 = arith.extui %lt3A_191 : i1 to i32
      %cond3A_193 = arith.constant 0 : i32
      %cond3A_194 = arith.cmpi ne, %convert_element_type3A_192, %cond3A_193 : i32
      scf.if %cond3A_194 {
        %ge3A = arith.constant 4 : i32
        %ge3A_268 = arith.cmpi sge, %add3A_189, %ge3A : i32
        %convert_element_type3A_269 = arith.extui %ge3A_268 : i1 to i32
        %cond3A_270 = arith.constant 0 : i32
        %cond3A_271 = arith.cmpi ne, %convert_element_type3A_269, %cond3A_270 : i32
        scf.if %cond3A_271 {
          %dma_wait3A_283 = arith.constant 1 : i32
          %dma_wait3A_284 = arith.constant 0 : i32
          %dma_wait3A_285 = arith.constant 0 : i32
          %dma_wait3A_286 = tpu.memref_slice %arg6[%dma_wait3A_283, %dma_wait3A_284, %dma_wait3A_285] : memref<4x128x128xf32, #tpu.memory_space<vmem>> -> memref<1x128x128xf32, #tpu.memory_space<vmem>>
          %dma_wait3A_287 = tpu.memref_squeeze %dma_wait3A_286 : memref<1x128x128xf32, #tpu.memory_space<vmem>> -> memref<128x128xf32, #tpu.memory_space<vmem>>
          %dma_wait3A_288 = arith.constant 0 : i32
          %dma_wait3A_289 = arith.constant 0 : i32
          %dma_wait3A_290 = tpu.memref_slice %arg4[%dma_wait3A_288, %dma_wait3A_289] : memref<425984x128xf32, #tpu.memory_space<hbm>> -> memref<128x128xf32, #tpu.memory_space<hbm>>
          %dma_wait3A_291 = arith.constant 0 : i32
          %dma_wait3A_292 = arith.constant 0 : i32
          %dma_wait3A_293 = tpu.memref_slice %arg4[%dma_wait3A_291, %dma_wait3A_292] : memref<425984x128xf32, #tpu.memory_space<hbm>> -> memref<128x128xf32, #tpu.memory_space<hbm>>
          %dma_wait3A_294 = arith.constant 0 : i32
          %dma_wait3A_295 = arith.constant 0 : i32
          %dma_wait3A_296 = tpu.memref_slice %arg6[%dma_wait3A_283, %dma_wait3A_294, %dma_wait3A_295] : memref<4x128x128xf32, #tpu.memory_space<vmem>> -> memref<1x128x128xf32, #tpu.memory_space<vmem>>
          %dma_wait3A_297 = tpu.memref_squeeze %dma_wait3A_296 : memref<1x128x128xf32, #tpu.memory_space<vmem>> -> memref<128x128xf32, #tpu.memory_space<vmem>>
          tpu.wait_dma2 semaphore(%arg12 : memref<!tpu.dma_semaphore, #tpu.memory_space<semaphore_mem>>) src(%dma_wait3A_297 : memref<128x128xf32, #tpu.memory_space<vmem>>) dst(%dma_wait3A_293 : memref<128x128xf32, #tpu.memory_space<hbm>>)
        } else {
        }
        %dma_start3A_272 = arith.constant 1 : i32
        %dma_start3A_273 = arith.constant 0 : i32
        %dma_start3A_274 = arith.constant 0 : i32
        %dma_start3A_275 = tpu.memref_slice %arg6[%dma_start3A_272, %dma_start3A_273, %dma_start3A_274] : memref<4x128x128xf32, #tpu.memory_space<vmem>> -> memref<1x128x128xf32, #tpu.memory_space<vmem>>
        %dma_start3A_276 = tpu.memref_squeeze %dma_start3A_275 : memref<1x128x128xf32, #tpu.memory_space<vmem>> -> memref<128x128xf32, #tpu.memory_space<vmem>>
        %dma_start3A_277 = arith.constant 0 : i32
        %dma_start3A_278 = tpu.memref_slice %arg5[%add3A_189, %dma_start3A_277] : memref<104x128xi32, #tpu.memory_space<vmem>> -> memref<1x128xi32, #tpu.memory_space<vmem>>
        %dma_start3A_279 = tpu.memref_squeeze %dma_start3A_278 : memref<1x128xi32, #tpu.memory_space<vmem>> -> memref<128xi32, #tpu.memory_space<vmem>>
        %dma_start3A_280 = arith.constant 0 : i32
        %dma_start3A_281 = arith.constant 0 : i32
        %dma_start3A_282 = tpu.memref_slice %arg3[%dma_start3A_280, %dma_start3A_281] : memref<100000x128xf32, #tpu.memory_space<hbm>> -> memref<100000x128xf32, #tpu.memory_space<hbm>>
        tpu.enqueue_indirect_dma source(%dma_start3A_282 : memref<100000x128xf32, #tpu.memory_space<hbm>>) target(%dma_start3A_276 : memref<128x128xf32, #tpu.memory_space<vmem>>) offsets(%dma_start3A_279 : memref<128xi32, #tpu.memory_space<vmem>>) semaphore(%arg8 : memref<!tpu.dma_semaphore, #tpu.memory_space<semaphore_mem>>)
      } else {
      }
      %dma_wait3A_195 = arith.constant 2 : i32
      %dma_wait3A_196 = arith.constant 0 : i32
      %dma_wait3A_197 = arith.constant 0 : i32
      %dma_wait3A_198 = tpu.memref_slice %arg6[%dma_wait3A_195, %dma_wait3A_196, %dma_wait3A_197] : memref<4x128x128xf32, #tpu.memory_space<vmem>> -> memref<1x128x128xf32, #tpu.memory_space<vmem>>
      %dma_wait3A_199 = tpu.memref_squeeze %dma_wait3A_198 : memref<1x128x128xf32, #tpu.memory_space<vmem>> -> memref<128x128xf32, #tpu.memory_space<vmem>>
      %dma_wait3A_200 = arith.constant 0 : i32
      %dma_wait3A_201 = arith.constant 0 : i32
      %dma_wait3A_202 = tpu.memref_slice %arg3[%dma_wait3A_200, %dma_wait3A_201] : memref<100000x128xf32, #tpu.memory_space<hbm>> -> memref<128x128xf32, #tpu.memory_space<hbm>>
      %dma_wait3A_203 = arith.constant 0 : i32
      %dma_wait3A_204 = arith.constant 0 : i32
      %dma_wait3A_205 = tpu.memref_slice %arg6[%dma_wait3A_195, %dma_wait3A_203, %dma_wait3A_204] : memref<4x128x128xf32, #tpu.memory_space<vmem>> -> memref<1x128x128xf32, #tpu.memory_space<vmem>>
      %dma_wait3A_206 = tpu.memref_squeeze %dma_wait3A_205 : memref<1x128x128xf32, #tpu.memory_space<vmem>> -> memref<128x128xf32, #tpu.memory_space<vmem>>
      %dma_wait3A_207 = arith.constant 0 : i32
      %dma_wait3A_208 = arith.constant 0 : i32
      %dma_wait3A_209 = tpu.memref_slice %arg3[%dma_wait3A_207, %dma_wait3A_208] : memref<100000x128xf32, #tpu.memory_space<hbm>> -> memref<128x128xf32, #tpu.memory_space<hbm>>
      tpu.wait_dma2 semaphore(%arg9 : memref<!tpu.dma_semaphore, #tpu.memory_space<semaphore_mem>>) src(%dma_wait3A_209 : memref<128x128xf32, #tpu.memory_space<hbm>>) dst(%dma_wait3A_206 : memref<128x128xf32, #tpu.memory_space<vmem>>)
      %mul3A_210 = arith.constant 128 : i32
      %mul3A_211 = arith.muli %add3A_187, %mul3A_210 : i32
      %add3A_212 = arith.addi %mul3A_2, %mul3A_211 : i32
      %dma_start3A_213 = arith.constant 2 : i32
      %dma_start3A_214 = arith.constant 0 : i32
      %dma_start3A_215 = arith.constant 0 : i32
      %dma_start3A_216 = tpu.memref_slice %arg6[%dma_start3A_213, %dma_start3A_214, %dma_start3A_215] : memref<4x128x128xf32, #tpu.memory_space<vmem>> -> memref<1x128x128xf32, #tpu.memory_space<vmem>>
      %dma_start3A_217 = tpu.memref_squeeze %dma_start3A_216 : memref<1x128x128xf32, #tpu.memory_space<vmem>> -> memref<128x128xf32, #tpu.memory_space<vmem>>
      %dma_start3A_218 = arith.constant 0 : i32
      %dma_start3A_219 = tpu.memref_slice %arg4[%add3A_212, %dma_start3A_218] : memref<425984x128xf32, #tpu.memory_space<hbm>> -> memref<128x128xf32, #tpu.memory_space<hbm>>
      %dma_start3A_220 = arith.constant 0 : i32
      %dma_start3A_221 = tpu.memref_slice %arg4[%add3A_212, %dma_start3A_220] : memref<425984x128xf32, #tpu.memory_space<hbm>> -> memref<128x128xf32, #tpu.memory_space<hbm>>
      %dma_start3A_222 = arith.constant 0 : i32
      %dma_start3A_223 = arith.constant 0 : i32
      %dma_start3A_224 = tpu.memref_slice %arg6[%dma_start3A_213, %dma_start3A_222, %dma_start3A_223] : memref<4x128x128xf32, #tpu.memory_space<vmem>> -> memref<1x128x128xf32, #tpu.memory_space<vmem>>
      %dma_start3A_225 = tpu.memref_squeeze %dma_start3A_224 : memref<1x128x128xf32, #tpu.memory_space<vmem>> -> memref<128x128xf32, #tpu.memory_space<vmem>>
      tpu.enqueue_dma source(%dma_start3A_225 : memref<128x128xf32, #tpu.memory_space<vmem>>) target(%dma_start3A_221 : memref<128x128xf32, #tpu.memory_space<hbm>>) target_semaphore(%arg13 : memref<!tpu.dma_semaphore, #tpu.memory_space<semaphore_mem>>)
      %mul3A_226 = arith.constant 4 : i32
      %mul3A_227 = arith.muli %scan3A_102, %mul3A_226 : i32
      %add3A_228 = arith.constant 3 : i32
      %add3A_229 = arith.addi %mul3A_227, %add3A_228 : i32
      %add3A_230 = arith.constant 3 : i32
      %add3A_231 = arith.addi %add3A_229, %add3A_230 : i32
      %lt3A_232 = arith.constant 104 : i32
      %lt3A_233 = arith.cmpi slt, %add3A_231, %lt3A_232 : i32
      %convert_element_type3A_234 = arith.extui %lt3A_233 : i1 to i32
      %cond3A_235 = arith.constant 0 : i32
      %cond3A_236 = arith.cmpi ne, %convert_element_type3A_234, %cond3A_235 : i32
      scf.if %cond3A_236 {
        %ge3A = arith.constant 4 : i32
        %ge3A_268 = arith.cmpi sge, %add3A_231, %ge3A : i32
        %convert_element_type3A_269 = arith.extui %ge3A_268 : i1 to i32
        %cond3A_270 = arith.constant 0 : i32
        %cond3A_271 = arith.cmpi ne, %convert_element_type3A_269, %cond3A_270 : i32
        scf.if %cond3A_271 {
          %dma_wait3A_283 = arith.constant 2 : i32
          %dma_wait3A_284 = arith.constant 0 : i32
          %dma_wait3A_285 = arith.constant 0 : i32
          %dma_wait3A_286 = tpu.memref_slice %arg6[%dma_wait3A_283, %dma_wait3A_284, %dma_wait3A_285] : memref<4x128x128xf32, #tpu.memory_space<vmem>> -> memref<1x128x128xf32, #tpu.memory_space<vmem>>
          %dma_wait3A_287 = tpu.memref_squeeze %dma_wait3A_286 : memref<1x128x128xf32, #tpu.memory_space<vmem>> -> memref<128x128xf32, #tpu.memory_space<vmem>>
          %dma_wait3A_288 = arith.constant 0 : i32
          %dma_wait3A_289 = arith.constant 0 : i32
          %dma_wait3A_290 = tpu.memref_slice %arg4[%dma_wait3A_288, %dma_wait3A_289] : memref<425984x128xf32, #tpu.memory_space<hbm>> -> memref<128x128xf32, #tpu.memory_space<hbm>>
          %dma_wait3A_291 = arith.constant 0 : i32
          %dma_wait3A_292 = arith.constant 0 : i32
          %dma_wait3A_293 = tpu.memref_slice %arg4[%dma_wait3A_291, %dma_wait3A_292] : memref<425984x128xf32, #tpu.memory_space<hbm>> -> memref<128x128xf32, #tpu.memory_space<hbm>>
          %dma_wait3A_294 = arith.constant 0 : i32
          %dma_wait3A_295 = arith.constant 0 : i32
          %dma_wait3A_296 = tpu.memref_slice %arg6[%dma_wait3A_283, %dma_wait3A_294, %dma_wait3A_295] : memref<4x128x128xf32, #tpu.memory_space<vmem>> -> memref<1x128x128xf32, #tpu.memory_space<vmem>>
          %dma_wait3A_297 = tpu.memref_squeeze %dma_wait3A_296 : memref<1x128x128xf32, #tpu.memory_space<vmem>> -> memref<128x128xf32, #tpu.memory_space<vmem>>
          tpu.wait_dma2 semaphore(%arg13 : memref<!tpu.dma_semaphore, #tpu.memory_space<semaphore_mem>>) src(%dma_wait3A_297 : memref<128x128xf32, #tpu.memory_space<vmem>>) dst(%dma_wait3A_293 : memref<128x128xf32, #tpu.memory_space<hbm>>)
        } else {
        }
        %dma_start3A_272 = arith.constant 2 : i32
        %dma_start3A_273 = arith.constant 0 : i32
        %dma_start3A_274 = arith.constant 0 : i32
        %dma_start3A_275 = tpu.memref_slice %arg6[%dma_start3A_272, %dma_start3A_273, %dma_start3A_274] : memref<4x128x128xf32, #tpu.memory_space<vmem>> -> memref<1x128x128xf32, #tpu.memory_space<vmem>>
        %dma_start3A_276 = tpu.memref_squeeze %dma_start3A_275 : memref<1x128x128xf32, #tpu.memory_space<vmem>> -> memref<128x128xf32, #tpu.memory_space<vmem>>
        %dma_start3A_277 = arith.constant 0 : i32
        %dma_start3A_278 = tpu.memref_slice %arg5[%add3A_231, %dma_start3A_277] : memref<104x128xi32, #tpu.memory_space<vmem>> -> memref<1x128xi32, #tpu.memory_space<vmem>>
        %dma_start3A_279 = tpu.memref_squeeze %dma_start3A_278 : memref<1x128xi32, #tpu.memory_space<vmem>> -> memref<128xi32, #tpu.memory_space<vmem>>
        %dma_start3A_280 = arith.constant 0 : i32
        %dma_start3A_281 = arith.constant 0 : i32
        %dma_start3A_282 = tpu.memref_slice %arg3[%dma_start3A_280, %dma_start3A_281] : memref<100000x128xf32, #tpu.memory_space<hbm>> -> memref<100000x128xf32, #tpu.memory_space<hbm>>
        tpu.enqueue_indirect_dma source(%dma_start3A_282 : memref<100000x128xf32, #tpu.memory_space<hbm>>) target(%dma_start3A_276 : memref<128x128xf32, #tpu.memory_space<vmem>>) offsets(%dma_start3A_279 : memref<128xi32, #tpu.memory_space<vmem>>) semaphore(%arg9 : memref<!tpu.dma_semaphore, #tpu.memory_space<semaphore_mem>>)
      } else {
      }
      %dma_wait3A_237 = arith.constant 3 : i32
      %dma_wait3A_238 = arith.constant 0 : i32
      %dma_wait3A_239 = arith.constant 0 : i32
      %dma_wait3A_240 = tpu.memref_slice %arg6[%dma_wait3A_237, %dma_wait3A_238, %dma_wait3A_239] : memref<4x128x128xf32, #tpu.memory_space<vmem>> -> memref<1x128x128xf32, #tpu.memory_space<vmem>>
      %dma_wait3A_241 = tpu.memref_squeeze %dma_wait3A_240 : memref<1x128x128xf32, #tpu.memory_space<vmem>> -> memref<128x128xf32, #tpu.memory_space<vmem>>
      %dma_wait3A_242 = arith.constant 0 : i32
      %dma_wait3A_243 = arith.constant 0 : i32
      %dma_wait3A_244 = tpu.memref_slice %arg3[%dma_wait3A_242, %dma_wait3A_243] : memref<100000x128xf32, #tpu.memory_space<hbm>> -> memref<128x128xf32, #tpu.memory_space<hbm>>
      %dma_wait3A_245 = arith.constant 0 : i32
      %dma_wait3A_246 = arith.constant 0 : i32
      %dma_wait3A_247 = tpu.memref_slice %arg6[%dma_wait3A_237, %dma_wait3A_245, %dma_wait3A_246] : memref<4x128x128xf32, #tpu.memory_space<vmem>> -> memref<1x128x128xf32, #tpu.memory_space<vmem>>
      %dma_wait3A_248 = tpu.memref_squeeze %dma_wait3A_247 : memref<1x128x128xf32, #tpu.memory_space<vmem>> -> memref<128x128xf32, #tpu.memory_space<vmem>>
      %dma_wait3A_249 = arith.constant 0 : i32
      %dma_wait3A_250 = arith.constant 0 : i32
      %dma_wait3A_251 = tpu.memref_slice %arg3[%dma_wait3A_249, %dma_wait3A_250] : memref<100000x128xf32, #tpu.memory_space<hbm>> -> memref<128x128xf32, #tpu.memory_space<hbm>>
      tpu.wait_dma2 semaphore(%arg10 : memref<!tpu.dma_semaphore, #tpu.memory_space<semaphore_mem>>) src(%dma_wait3A_251 : memref<128x128xf32, #tpu.memory_space<hbm>>) dst(%dma_wait3A_248 : memref<128x128xf32, #tpu.memory_space<vmem>>)
      %mul3A_252 = arith.constant 128 : i32
      %mul3A_253 = arith.muli %add3A_229, %mul3A_252 : i32
      %add3A_254 = arith.addi %mul3A_2, %mul3A_253 : i32
      %dma_start3A_255 = arith.constant 3 : i32
      %dma_start3A_256 = arith.constant 0 : i32
      %dma_start3A_257 = arith.constant 0 : i32
      %dma_start3A_258 = tpu.memref_slice %arg6[%dma_start3A_255, %dma_start3A_256, %dma_start3A_257] : memref<4x128x128xf32, #tpu.memory_space<vmem>> -> memref<1x128x128xf32, #tpu.memory_space<vmem>>
      %dma_start3A_259 = tpu.memref_squeeze %dma_start3A_258 : memref<1x128x128xf32, #tpu.memory_space<vmem>> -> memref<128x128xf32, #tpu.memory_space<vmem>>
      %dma_start3A_260 = arith.constant 0 : i32
      %dma_start3A_261 = tpu.memref_slice %arg4[%add3A_254, %dma_start3A_260] : memref<425984x128xf32, #tpu.memory_space<hbm>> -> memref<128x128xf32, #tpu.memory_space<hbm>>
      %dma_start3A_262 = arith.constant 0 : i32
      %dma_start3A_263 = tpu.memref_slice %arg4[%add3A_254, %dma_start3A_262] : memref<425984x128xf32, #tpu.memory_space<hbm>> -> memref<128x128xf32, #tpu.memory_space<hbm>>
      %dma_start3A_264 = arith.constant 0 : i32
      %dma_start3A_265 = arith.constant 0 : i32
      %dma_start3A_266 = tpu.memref_slice %arg6[%dma_start3A_255, %dma_start3A_264, %dma_start3A_265] : memref<4x128x128xf32, #tpu.memory_space<vmem>> -> memref<1x128x128xf32, #tpu.memory_space<vmem>>
      %dma_start3A_267 = tpu.memref_squeeze %dma_start3A_266 : memref<1x128x128xf32, #tpu.memory_space<vmem>> -> memref<128x128xf32, #tpu.memory_space<vmem>>
      tpu.enqueue_dma source(%dma_start3A_267 : memref<128x128xf32, #tpu.memory_space<vmem>>) target(%dma_start3A_263 : memref<128x128xf32, #tpu.memory_space<hbm>>) target_semaphore(%arg14 : memref<!tpu.dma_semaphore, #tpu.memory_space<semaphore_mem>>)
    }
    %scan3A_42 = arith.constant 26 : i32
    %dma_wait3A = arith.constant 0 : i32
    %dma_wait3A_43 = arith.constant 0 : i32
    %dma_wait3A_44 = arith.constant 0 : i32
    %dma_wait3A_45 = tpu.memref_slice %arg6[%dma_wait3A, %dma_wait3A_43, %dma_wait3A_44] : memref<4x128x128xf32, #tpu.memory_space<vmem>> -> memref<1x128x128xf32, #tpu.memory_space<vmem>>
    %dma_wait3A_46 = tpu.memref_squeeze %dma_wait3A_45 : memref<1x128x128xf32, #tpu.memory_space<vmem>> -> memref<128x128xf32, #tpu.memory_space<vmem>>
    %dma_wait3A_47 = arith.constant 0 : i32
    %dma_wait3A_48 = arith.constant 0 : i32
    %dma_wait3A_49 = tpu.memref_slice %arg4[%dma_wait3A_47, %dma_wait3A_48] : memref<425984x128xf32, #tpu.memory_space<hbm>> -> memref<128x128xf32, #tpu.memory_space<hbm>>
    %dma_wait3A_50 = arith.constant 0 : i32
    %dma_wait3A_51 = arith.constant 0 : i32
    %dma_wait3A_52 = tpu.memref_slice %arg4[%dma_wait3A_50, %dma_wait3A_51] : memref<425984x128xf32, #tpu.memory_space<hbm>> -> memref<128x128xf32, #tpu.memory_space<hbm>>
    %dma_wait3A_53 = arith.constant 0 : i32
    %dma_wait3A_54 = arith.constant 0 : i32
    %dma_wait3A_55 = tpu.memref_slice %arg6[%dma_wait3A, %dma_wait3A_53, %dma_wait3A_54] : memref<4x128x128xf32, #tpu.memory_space<vmem>> -> memref<1x128x128xf32, #tpu.memory_space<vmem>>
    %dma_wait3A_56 = tpu.memref_squeeze %dma_wait3A_55 : memref<1x128x128xf32, #tpu.memory_space<vmem>> -> memref<128x128xf32, #tpu.memory_space<vmem>>
    tpu.wait_dma2 semaphore(%arg11 : memref<!tpu.dma_semaphore, #tpu.memory_space<semaphore_mem>>) src(%dma_wait3A_56 : memref<128x128xf32, #tpu.memory_space<vmem>>) dst(%dma_wait3A_52 : memref<128x128xf32, #tpu.memory_space<hbm>>)
    %dma_wait3A_57 = arith.constant 1 : i32
    %dma_wait3A_58 = arith.constant 0 : i32
    %dma_wait3A_59 = arith.constant 0 : i32
    %dma_wait3A_60 = tpu.memref_slice %arg6[%dma_wait3A_57, %dma_wait3A_58, %dma_wait3A_59] : memref<4x128x128xf32, #tpu.memory_space<vmem>> -> memref<1x128x128xf32, #tpu.memory_space<vmem>>
    %dma_wait3A_61 = tpu.memref_squeeze %dma_wait3A_60 : memref<1x128x128xf32, #tpu.memory_space<vmem>> -> memref<128x128xf32, #tpu.memory_space<vmem>>
    %dma_wait3A_62 = arith.constant 0 : i32
    %dma_wait3A_63 = arith.constant 0 : i32
    %dma_wait3A_64 = tpu.memref_slice %arg4[%dma_wait3A_62, %dma_wait3A_63] : memref<425984x128xf32, #tpu.memory_space<hbm>> -> memref<128x128xf32, #tpu.memory_space<hbm>>
    %dma_wait3A_65 = arith.constant 0 : i32
    %dma_wait3A_66 = arith.constant 0 : i32
    %dma_wait3A_67 = tpu.memref_slice %arg4[%dma_wait3A_65, %dma_wait3A_66] : memref<425984x128xf32, #tpu.memory_space<hbm>> -> memref<128x128xf32, #tpu.memory_space<hbm>>
    %dma_wait3A_68 = arith.constant 0 : i32
    %dma_wait3A_69 = arith.constant 0 : i32
    %dma_wait3A_70 = tpu.memref_slice %arg6[%dma_wait3A_57, %dma_wait3A_68, %dma_wait3A_69] : memref<4x128x128xf32, #tpu.memory_space<vmem>> -> memref<1x128x128xf32, #tpu.memory_space<vmem>>
    %dma_wait3A_71 = tpu.memref_squeeze %dma_wait3A_70 : memref<1x128x128xf32, #tpu.memory_space<vmem>> -> memref<128x128xf32, #tpu.memory_space<vmem>>
    tpu.wait_dma2 semaphore(%arg12 : memref<!tpu.dma_semaphore, #tpu.memory_space<semaphore_mem>>) src(%dma_wait3A_71 : memref<128x128xf32, #tpu.memory_space<vmem>>) dst(%dma_wait3A_67 : memref<128x128xf32, #tpu.memory_space<hbm>>)
    %dma_wait3A_72 = arith.constant 2 : i32
    %dma_wait3A_73 = arith.constant 0 : i32
    %dma_wait3A_74 = arith.constant 0 : i32
    %dma_wait3A_75 = tpu.memref_slice %arg6[%dma_wait3A_72, %dma_wait3A_73, %dma_wait3A_74] : memref<4x128x128xf32, #tpu.memory_space<vmem>> -> memref<1x128x128xf32, #tpu.memory_space<vmem>>
    %dma_wait3A_76 = tpu.memref_squeeze %dma_wait3A_75 : memref<1x128x128xf32, #tpu.memory_space<vmem>> -> memref<128x128xf32, #tpu.memory_space<vmem>>
    %dma_wait3A_77 = arith.constant 0 : i32
    %dma_wait3A_78 = arith.constant 0 : i32
    %dma_wait3A_79 = tpu.memref_slice %arg4[%dma_wait3A_77, %dma_wait3A_78] : memref<425984x128xf32, #tpu.memory_space<hbm>> -> memref<128x128xf32, #tpu.memory_space<hbm>>
    %dma_wait3A_80 = arith.constant 0 : i32
    %dma_wait3A_81 = arith.constant 0 : i32
    %dma_wait3A_82 = tpu.memref_slice %arg4[%dma_wait3A_80, %dma_wait3A_81] : memref<425984x128xf32, #tpu.memory_space<hbm>> -> memref<128x128xf32, #tpu.memory_space<hbm>>
    %dma_wait3A_83 = arith.constant 0 : i32
    %dma_wait3A_84 = arith.constant 0 : i32
    %dma_wait3A_85 = tpu.memref_slice %arg6[%dma_wait3A_72, %dma_wait3A_83, %dma_wait3A_84] : memref<4x128x128xf32, #tpu.memory_space<vmem>> -> memref<1x128x128xf32, #tpu.memory_space<vmem>>
    %dma_wait3A_86 = tpu.memref_squeeze %dma_wait3A_85 : memref<1x128x128xf32, #tpu.memory_space<vmem>> -> memref<128x128xf32, #tpu.memory_space<vmem>>
    tpu.wait_dma2 semaphore(%arg13 : memref<!tpu.dma_semaphore, #tpu.memory_space<semaphore_mem>>) src(%dma_wait3A_86 : memref<128x128xf32, #tpu.memory_space<vmem>>) dst(%dma_wait3A_82 : memref<128x128xf32, #tpu.memory_space<hbm>>)
    %dma_wait3A_87 = arith.constant 3 : i32
    %dma_wait3A_88 = arith.constant 0 : i32
    %dma_wait3A_89 = arith.constant 0 : i32
    %dma_wait3A_90 = tpu.memref_slice %arg6[%dma_wait3A_87, %dma_wait3A_88, %dma_wait3A_89] : memref<4x128x128xf32, #tpu.memory_space<vmem>> -> memref<1x128x128xf32, #tpu.memory_space<vmem>>
    %dma_wait3A_91 = tpu.memref_squeeze %dma_wait3A_90 : memref<1x128x128xf32, #tpu.memory_space<vmem>> -> memref<128x128xf32, #tpu.memory_space<vmem>>
    %dma_wait3A_92 = arith.constant 0 : i32
    %dma_wait3A_93 = arith.constant 0 : i32
    %dma_wait3A_94 = tpu.memref_slice %arg4[%dma_wait3A_92, %dma_wait3A_93] : memref<425984x128xf32, #tpu.memory_space<hbm>> -> memref<128x128xf32, #tpu.memory_space<hbm>>
    %dma_wait3A_95 = arith.constant 0 : i32
    %dma_wait3A_96 = arith.constant 0 : i32
    %dma_wait3A_97 = tpu.memref_slice %arg4[%dma_wait3A_95, %dma_wait3A_96] : memref<425984x128xf32, #tpu.memory_space<hbm>> -> memref<128x128xf32, #tpu.memory_space<hbm>>
    %dma_wait3A_98 = arith.constant 0 : i32
    %dma_wait3A_99 = arith.constant 0 : i32
    %dma_wait3A_100 = tpu.memref_slice %arg6[%dma_wait3A_87, %dma_wait3A_98, %dma_wait3A_99] : memref<4x128x128xf32, #tpu.memory_space<vmem>> -> memref<1x128x128xf32, #tpu.memory_space<vmem>>
    %dma_wait3A_101 = tpu.memref_squeeze %dma_wait3A_100 : memref<1x128x128xf32, #tpu.memory_space<vmem>> -> memref<128x128xf32, #tpu.memory_space<vmem>>
    tpu.wait_dma2 semaphore(%arg14 : memref<!tpu.dma_semaphore, #tpu.memory_space<semaphore_mem>>) src(%dma_wait3A_101 : memref<128x128xf32, #tpu.memory_space<vmem>>) dst(%dma_wait3A_97 : memref<128x128xf32, #tpu.memory_space<hbm>>)
    return
  }
}

</mosaic_0001>

<sc_bundles>
// kernel: kernel.3.cloned.1.call-start
scs
__scs_entry_jumppad:
0x0: {  	(pc) =	sbr.rel $0x88, $3  }
0x1: {  	(tag) =	ssettag $0x0;
	lr =	simm.s32 $0x1  }
0x2: {  	[smem:$0x3F9F] =	sst lr;
	_ =	strace $0xD0000000  }
0x3: {  	_ = 	snop  }
0x4: {  	_ = 	snop  }
0x5: {  	_ = 	snop  }
0x6: {  	_ = 	snop  }
0x7: {  	_ = 	snop  }
__scs_overlays_trampoline_lowered:
0x8: {  	[smem:$0x3FAE] =	sst s0  }
0x9: {  	[smem:$0x3FAF] =	sst s1  }
0xa: {  	[smem:$0x3FB0] =	sst s2  }
0xb: {  	[smem:$0x3FB1] =	sst s3  }
0xc: {  	[smem:$0x3FB2] =	sst s4  }
0xd: {  	[smem:$0x3FB3] =	sst s5  }
0xe: {  	[smem:$0x3FB4] =	sst s6  }
0xf: {  	[smem:$0x3FB5] =	sst s7  }
0x10: {  	[smem:$0x3FB6] =	sst s8  }
0x11: {  	[smem:$0x3FB7] =	sst s9;
	s0 =	simm.s32 @!p0 $0x0  }
0x12: {  	s1 =	sld [smem:$0x3F9D];
	s0 =	simm.s32 @p0 $0x1  }
0x13: {  	[smem:$0x3FB8] =	sst s0;
	s0 =	simm.s32 @!p1 $0x0  }
0x14: {  	s2 =	sld [smem:$0x3F9C];
	s0 =	simm.s32 @p1 $0x1  }
0x15: {  	[smem:$0x3FB9] =	sst s0;
	s0 =	simm.s32 @!p2 $0x0  }
0x16: {  	s3 =	sld [smem:$0x3FDB];
	s0 =	simm.s32 @p2 $0x1  }
0x17: {  	s4 =	simm.s32 $0x1BF5;
	[smem:$0x3FBB] =	sst s0  }
0x18: {  	s0 =	sld [smem:$0x3F9E];
	_ =	swait.ge [sflag:s4], $0x0  }
0x19: {  	s7 =	sld [smem:$0x3F9F]  }
0x1a: {  	s8 =	sadd.s32 $0xFFFFE003, lr  }
0x1b: {  	s9 =	sadd.s32 $0xFFFFFEF7, lr;
	s5 =	simm.s32 $0xFFFFFFFF;
	p2 =	slt.u32 s8, $0xFFFFF086  }
0x1c: {  	p1 =	slt.u32 s9, $0xF7A;
	s5 =	simm.s32 @!p2 $0x0  }
0x1d: {  	s5 =	simm.s32 @p1 $0x1;
	p0 =	seq.s32 s7, s2  }
0x1e: {  	s7 =	smul.u32 @!p0 $0xF7A, s2;
	p2 =	seq.s32 @!p0 s5, $0x0  }
0x1f: {  	s9 =	smul.u32 $0xF7A, s1;
	s8 =	simm.s32 @!p0 $0x1BF5;
	p2 =	por !p2, p0  }
0x20: {  	[sflag:s8] =	ssyncset.s32 @!p0 $0xFFFFF086;
	s6 =	sadd.s32 @!p0 s3, s7;
	s7 =	simm.s32 @!p0 $0x108  }
0x21: {  	s3 =	sadd.s32 s3, s9;
	s6 =	sadd.s32 @!p0 $0x88, s6;
	s7 =	simm.s32 @p2 $0x1082  }
0x22: {  	[simem:s7], [sflag:s8] =	dma.local @!p0 [hbm:s6], $0xF7A  }
0x23: {  	s9 =	sor.u32 $0xD0000000, s2;
	s6 =	simm.s32 $0x108;
	_ =	swait.ge @!p0 [sflag:s8], $0x0  }
0x24: {  	s3 =	sadd.s32 $0x88, s3;
	s6 =	simm.s32 @!p1 $0x1082;
	[sflag:s4] =	ssyncset.s32 $0xFFFFF086  }
0x25: {  	[simem:s6], [sflag:s4] =	dma.local [hbm:s3], $0xF7A  }
0x26: {  	[smem:$0x3F9F] =	sst s1;
	(tag) =	ssettag s2;
	_ =	strace s9  }
0x27: {  	s1 =	sld [smem:$0x3FAF]  }
0x28: {  	s2 =	sld [smem:$0x3FB0]  }
0x29: {  	s4 =	sld [smem:$0x3FB2]  }
0x2a: {  	p0 =	seq.s32 s5, $0x0;
	s5 =	sld [smem:$0x3FB3]  }
0x2b: {  	s6 =	sld [smem:$0x3FB4]  }
0x2c: {  	s7 =	sld [smem:$0x3FB5]  }
0x2d: {  	s3 =	simm.s32 $0x108;
	s8 =	sld [smem:$0x3FB6]  }
0x2e: {  	s3 =	simm.s32 @!p0 $0x1082;
	s9 =	sld [smem:$0x3FB7]  }
0x2f: {  	lr =	sadd.s32 s0, s3;
	s0 =	sld [smem:$0x3FAE]  }
0x30: {  	s3 =	sld [smem:$0x3FB1]  }
0x31: {  	[smem:$0x3FBA] =	sst s10  }
0x32: {  	s10 =	sld [smem:$0x3FB8];
	_ =	sdelay $0x3  }
0x33: {  	p0 =	seq.s32 s10, $0x1;
	s10 =	sld [smem:$0x3FBA];
	_ =	sdelay $0x3  }
0x34: {  	[smem:$0x3FBA] =	sst s10  }
0x35: {  	s10 =	sld [smem:$0x3FB9];
	_ =	sdelay $0x3  }
0x36: {  	p1 =	seq.s32 s10, $0x1;
	s10 =	sld [smem:$0x3FBA];
	_ =	sdelay $0x3  }
0x37: {  	[smem:$0x3FBA] =	sst s10  }
0x38: {  	s10 =	sld [smem:$0x3FBB]  }
0x39: {  	_ = 	snop;
	(pc) =	sbr.ind lr, $3  }
0x3a: {  	_ = 	snop  }
0x3b: {  	_ = 	snop  }
0x3c: {  	p2 =	seq.s32 s10, $0x1;
	s10 =	sld [smem:$0x3FBA]  }
0x3d: {  	_ =	shalt  }
0x3e: {  	_ =	shalt  }
0x3f: {  	_ =	shalt  }
0x40: {  	_ =	shalt  }
0x41: {  	_ =	shalt  }
0x42: {  	_ =	shalt  }
0x43: {  	_ =	shalt  }
0x44: {  	_ =	shalt  }
0x45: {  	_ =	shalt  }
0x46: {  	_ =	shalt  }
0x47: {  	_ =	shalt  }
0x48: {  	_ =	shalt  }
0x49: {  	_ =	shalt  }
0x4a: {  	_ =	shalt  }
0x4b: {  	_ =	shalt  }
0x4c: {  	_ =	shalt  }
0x4d: {  	_ =	shalt  }
0x4e: {  	_ =	shalt  }
0x4f: {  	_ =	shalt  }
0x50: {  	_ =	shalt  }
0x51: {  	_ =	shalt  }
0x52: {  	_ =	shalt  }
0x53: {  	_ =	shalt  }
0x54: {  	_ =	shalt  }
0x55: {  	_ =	shalt  }
0x56: {  	_ =	shalt  }
0x57: {  	_ =	shalt  }
0x58: {  	_ =	shalt  }
0x59: {  	_ =	shalt  }
0x5a: {  	_ =	shalt  }
0x5b: {  	_ =	shalt  }
0x5c: {  	_ =	shalt  }
0x5d: {  	_ =	shalt  }
0x5e: {  	_ =	shalt  }
0x5f: {  	_ =	shalt  }
0x60: {  	_ =	shalt  }
0x61: {  	_ =	shalt  }
0x62: {  	_ =	shalt  }
0x63: {  	_ =	shalt  }
0x64: {  	_ =	shalt  }
0x65: {  	_ =	shalt  }
0x66: {  	_ =	shalt  }
0x67: {  	_ =	shalt  }
0x68: {  	_ =	shalt  }
0x69: {  	_ =	shalt  }
0x6a: {  	_ =	shalt  }
0x6b: {  	_ =	shalt  }
0x6c: {  	_ =	shalt  }
0x6d: {  	_ =	shalt  }
0x6e: {  	_ =	shalt  }
0x6f: {  	_ =	shalt  }
0x70: {  	_ =	shalt  }
0x71: {  	_ =	shalt  }
0x72: {  	_ =	shalt  }
0x73: {  	_ =	shalt  }
0x74: {  	_ =	shalt  }
0x75: {  	_ =	shalt  }
0x76: {  	_ =	shalt  }
0x77: {  	_ =	shalt  }
0x78: {  	_ =	shalt  }
0x79: {  	_ =	shalt  }
0x7a: {  	_ =	shalt  }
0x7b: {  	_ =	shalt  }
0x7c: {  	_ =	shalt  }
0x7d: {  	_ =	shalt  }
0x7e: {  	_ =	shalt  }
0x7f: {  	_ =	shalt  }
0x80: {  	_ =	shalt  }
0x81: {  	_ =	shalt  }
0x82: {  	_ =	shalt  }
0x83: {  	_ =	shalt  }
0x84: {  	_ =	shalt  }
0x85: {  	_ =	shalt  }
0x86: {  	_ =	shalt  }
0x87: {  	_ =	shalt  }
.Lfunc_end0:
.L_simem_size_0:
called_computation_lowered:
.L_overlay_start_0:
0x88: {  	s2 =	sld [smem:$0x3FD9]  }
0x89: {  	s3 =	sld [smem:$0x3FFE];
	_ =	sdelay $0x1  }
0x8a: {  	s1 =	srdreg.scid  }
0x8b: {  	s0 =	sand.u32 $0x1, s1  }
0x8c: {  	s18 =	sshll.u32 s0, $0xA;
	s2 =	sadd.s32 s3, s2  }
0x8d: {  	s2 =	sadd.s32 s2, s18  }
0x8e: {  	[smem:$0x3FC6] =	sst s2  }
0x8f: {  	_ = 	snop  }
0x90: {  	s2 =	sld [smem:$0x3FC9]  }
0x91: {  	s19 =	sld [smem:$0x3FC8]  }
0x92: {  	s4 =	sld [smem:$0x3FD0];
	(tm) =	ssettm $0x1  }
0x93: {  	s5 =	sld [smem:$0x3FFB];
	_ =	sdelay $0x3  }
0x94: {  	_ =	strace s5  }
0x95: {  	s5 =	sld [smem:$0x3FFC];
	_ =	sdelay $0x3  }
0x96: {  	_ =	strace s5  }
0x97: {  	s5 =	sld [smem:$0x3FFD];
	_ =	sdelay $0x3  }
0x98: {  	_ =	strace s5  }
0x99: {  	_ =	strace $0x8FFFFFFF  }
0x9a: {  	s20 =	sld [smem:$0x3FDB];
	_ =	sdelay $0x1  }
0x9b: {  	s6 =	simm.s32 $_scs_section_size  }
0x9c: {  	s7 =	simm.s32 $_size__tile_overlayer_lowered;
	s8 =	simm.s32 $_tile_overlayer_lowered  }
0x9d: {  	s23 =	simm.s32 $0x1BFF;
	s22 =	sshll.u32 s8, $0x1;
	s5 =	sadd.s32 s6, s20  }
0x9e: {  	s9 =	simm.s32 $0x0;
	s21 =	sshll.u32 s7, $0x1;
	s7 =	sadd.s32 s22, s5  }
0x9f: {  	[timem:s9], [sflag:s23] =	dma.local [hbm:s7], s21  }
0xa0: {  	_ =	swait.ge [sflag:s23], s21  }
0xa1: {  	s6 =	ssub.s32 $0x0, s21;
	[sflag:s23] =	ssyncset.done $0x0  }
0xa2: {  	[sflag:s23] =	ssyncadd.s32 s6;
	_ =	sdelay $0x1  }
0xa3: {  	s24 =	simm.s32 $0x1B8B  }
0xa4: {  	_ =	swait.ge [sflag:s24], $0x1  }
0xa5: {  	[sflag:s24] =	ssyncset.done $0x0  }
0xa6: {  	s25 =	simm.s32 $0x1B8E;
	[sflag:s24] =	ssyncadd.s32 $0xFFFFFFFF  }
0xa7: {  	s26 =	simm.s32 $execute0_lowered;
	[smem:$0x3FD2] =	sst s25  }
0xa8: {  	s6 =	sshll.u32 s26, $0x1;
	_ =	strace $0x80000046;
	[dreg:$0x1] =	wrdreg $0xFFFFFFFF  }
0xa9: {  	s28 =	simm.s32 $_size_execute0_lowered;
	s5 =	sadd.s32 s5, s6;
	[dreg:$0x0] =	wrdreg $0x0  }
0xaa: {  	s6 =	sshll.u32 s28, $0x1;
	[dreg:$0x2] =	wrdreg s5  }
0xab: {  	[dreg:$0x3] =	wrdreg s6  }
0xac: {  	[dreg:$0x4] =	wrdreg $0xC0  }
0xad: {  	_ =	task [dreg:s9], $0x5FFFF  }
0xae: {  	[dreg:$0x1] =	wrdreg $0xFFFFFFFF  }
0xaf: {  	[dreg:$0x0] =	wrdreg $0x60  }
0xb0: {  	[dreg:$0x2] =	wrdreg s2  }
0xb1: {  	[dreg:$0x3] =	wrdreg s19  }
0xb2: {  	[dreg:$0x4] =	wrdreg s4  }
0xb3: {  	[dreg:$0x5] =	wrdreg $0x9  }
0xb4: {  	_ =	task.clear_ibuf [dreg:s9], $0x6FFFF;
	_ =	strace $0x90000046  }
0xb5: {  	s29 =	simm.s32 $0x9;
	_ =	strace $0x80000048  }
0xb6: {  	_ =	swait.ge [sflag:s29], $0x1  }
0xb7: {  	[sflag:s29] =	ssyncadd.s32 $0xFFFFFFFF  }
0xb8: {  	_ =	strace $0x90000048  }
0xb9: {  	_ =	sfence  }
0xba: {  	s30 =	sld [smem:$0x0];
	_ =	sdelay $0x2  }
0xbb: {  	s31 =	sshll.u32 s1, $0xD;
	s1 =	sshrl.u32 s1, $0x2  }
0xbc: {  	s3 =	sand.u32 $0x4000, s31;
	s1 =	sadd.s32 s1, s30  }
0xbd: {  	s0 =	sor.u32 s3, s0;
	s1 =	sshll.u32 s1, $0x11  }
0xbe: {  	s0 =	sor.u32 s1, s0  }
0xbf: {  	s0 =	sadd.s32 $0x8F2B, s0  }
0xc0: {  	[sflag:s0] =	ssyncadd.remote.s32 $0x1  }
0xc1: {  	_ =	sfence.sel $0xFFFF  }
0xc2: {  	[dreg:$0x0] =	wrdreg $0xFFFFFFFF;
	(pc) =	sbr.abs _section_cstart, $3  }
0xc3: {  	[dreg:$0x1] =	wrdreg $0xFFFFFFFF  }
0xc4: {  	_ =	task.clear_ibuf [dreg:s9], $0x2FFFF;
	_ =	strace $0x9FFFFFFF  }
0xc5: {  	(tm) =	ssettm $0x7FFFFFFF  }
tec
execute0_lowered:
.L_overlay_start_1:
0x0: {  	(tag) =	ssettag $0x1  }
0x1: {  	s4 =	rddreg [dreg:$0x0]  }
0x2: {  	s2 =	rddreg [dreg:$0x1];
	s1 =	srdreg.scid  }
0x3: {  	s0 =	stileid.u32;
	s8 =	rddreg [dreg:$0x2]  }
0x4: {  	s3 =	simm.s32 $0x0;
	s12 =	simm.s32 $0x7400;
	s15 =	simm.s32 $0xF400  }
0x5: {  	s16 =	simm.s32 $0x1;
	s17 =	simm.s32 $0x2;
	s18 =	simm.s32 $0x4  }
0x6: {  	s19 =	simm.s32 $0x5;
	s20 =	simm.s32 $0x6;
	s11 =	smul.u32 $0x340000, s0  }
0x7: {  	s21 =	simm.s32 $0x7;
	s6 =	sand.u32 $0x1, s1;
	s29 =	smul.u32 $0x68000, s0  }
0x8: {  	s22 =	simm.s32 $0x8;
	s5 =	sshll.u32 s0, $0x1;
	s25 =	smul.u32 $0x1A0000, s6  }
0x9: {  	s5 =	sor.u32 s6, s5;
	s9 =	ssub.s32 $0x2, s6;
	s6 =	smul.u32 $0x34000, s6  }
0xa: {  	[smem:$0x7FF] =	sst s3;
	s7 =	smul.u32 $0x3400, s5;
	s23 =	sshrl.u32 s9, $0x1  }
0xb: {  	_ =	strace $0x80000047;
	s10 =	smul.u32 $0x34000, s5;
	s5 =	ssub.s32 s9, s23  }
0xc: {  	s30 =	sadd.s32 s29, s8;
	s7 =	sshrl.u32 s7, $0x3;
	s26 =	smax.u32 s5, $0x1  }
0xd: {  	s28 =	sadd.s32 s8, s10;
	s24 =	sadd.s32 s4, s7;
	[dreg:$0x6] =	wrdreg s26  }
0xe: {  	s23 =	simm.s32 $0x0;
	s9 =	sadd.s32 $0x33000, s28;
	[dreg:$0x5] =	wrdreg s24  }
0xf: {  	s7 =	sadd.s32 s25, s11;
	s11 =	simm.s32 $0x3400;
	[dreg:$0x4] =	wrdreg s9  }
0x10: {  	s31 =	sor.u32 $0xC000, s7;
	s7 =	sshrl.u32 s7, $0x3;
	s9 =	sadd.s32 s6, s30  }
0x11: {  	s10 =	sshrl.u32 s31, $0x3;
	s6 =	sadd.s32 s7, s8;
	s7 =	sadd.s32 $0x1000, s9  }
0x12: {  	s9 =	simm.s32 $0x9;
	s8 =	sadd.s32 s10, s8;
	s10 =	simm.s32 $0x80  }
.LBB2_1:
0x13: {  	s0 =	rddreg [dreg:$0x5]  }
0x14: {  	[tilespmem:s3], [sflag:$0x9] =	stream.linear.gather [hbm4b:s0+s3], $0x3400, $0x38;
	[tilespmem:$0x13400] =	vst v63  }
0x15: {  	_ =	swait.ge [sflag:s9], $0x3400  }
0x16: {  	[sflag:s9] =	ssyncset.done $0x0  }
0x17: {  	[sflag:s9] =	ssyncadd.s32 $0xFFFFCC00  }
0x18: {  	[tilespmem:s11], [sflag:$0x1] =	stream.indirect.gather [hbm4b:s2+s10], $0x80, s3, s10, $0xb8;
	[tilespmem:$0x13400] =	vst v63  }
0x19: {  	p0 =	por $0x1, $0x1  }
0x1a: {  	[tilespmem:s12], [sflag:$0x2] =	stream.indirect.gather [hbm4b:s2+s10], $0x80, s10, s10, $0xb8;
	[tilespmem:$0x13400] =	vst v63  }
0x1b: {  	s26 =	simm.s32 $0x100;
	s1 =	simm.s32 $0xB400;
	s24 =	simm.s32 @!p0 $0x8  }
0x1c: {  	[tilespmem:s1], [sflag:$0x3] =	stream.indirect.gather [hbm4b:s2+s10], $0x80, s26, s10, $0xb8;
	[tilespmem:$0x13400] =	vst v63  }
0x1d: {  	_ =	swait.ge @!p0 [sflag:s24], $0x4000  }
0x1e: {  	[sflag:s24] =	ssyncset.done @!p0 $0x0  }
0x1f: {  	s25 =	simm.s32 $0x180;
	[sflag:s24] =	ssyncadd.s32 @!p0 $0xFFFFC000  }
0x20: {  	[tilespmem:s15], [sflag:$0x4] =	stream.indirect.gather [hbm4b:s2+s10], $0x80, s25, s10, $0xb8;
	[tilespmem:$0x13400] =	vst v63  }
0x21: {  	_ =	swait.ge [sflag:s16], $0x4000  }
0x22: {  	p0 =	por $0x0, $0x0;
	[sflag:s16] =	ssyncset.done $0x0  }
0x23: {  	s24 =	simm.s32 @!p0 $0x5;
	[sflag:s16] =	ssyncadd.s32 $0xFFFFC000  }
0x24: {  	[hbm4b:s6+s3] =	stream.linear.scatter [tilespmem:s11], [sflag:$0x5], $0x4000, $0x38;
	[tilespmem:$0x13400] =	vst v63  }
0x25: {  	_ =	swait.ge @!p0 [sflag:s24], $0x4000  }
0x26: {  	s25 =	simm.s32 @!p0 $0x200;
	[sflag:s24] =	ssyncset.done @!p0 $0x0  }
0x27: {  	s26 =	simm.s32 @!p0 $0x80;
	s28 =	simm.s32 @!p0 $0x3400;
	[sflag:s24] =	ssyncadd.s32 @!p0 $0xFFFFC000  }
0x28: {  	[tilespmem:s28], [sflag:$0x1] =	stream.indirect.gather @!p0 [hbm4b:s2+s26], $0x80, s25, s26, $0xb8;
	[tilespmem:$0x13400] =	vst v63  }
0x29: {  	_ =	swait.ge [sflag:s17], $0x4000  }
0x2a: {  	[sflag:s17] =	ssyncset.done $0x0  }
0x2b: {  	s31 =	sadd.s32 $0xFFFFF800, s7;
	s25 =	simm.s32 @p0 $0x3;
	[sflag:s17] =	ssyncadd.s32 $0xFFFFC000  }
0x2c: {  	[hbm4b:s31+s3] =	stream.linear.scatter [tilespmem:s12], [sflag:$0x6], $0x4000, $0x38;
	[tilespmem:$0x13400] =	vst v63  }
0x2d: {  	_ =	swait.ge @p0 [sflag:s25], $0x4000  }
0x2e: {  	s29 =	simm.s32 @!p0 $0x6;
	s28 =	simm.s32 @p0 $0xB400;
	[sflag:s25] =	ssyncset.done @p0 $0x0  }
0x2f: {  	s24 =	rddreg [dreg:$0x4];
	[sflag:s25] =	ssyncadd.s32 @p0 $0xFFFFC000;
	s25 =	simm.s32 @p0 $0x0  }
0x30: {  	[hbm4b:s24+s25] =	stream.linear.scatter @p0 [tilespmem:s28], [sflag:$0x7], $0x4000, $0x38;
	[tilespmem:$0x13400] =	vst v63  }
0x31: {  	_ =	swait.ge @!p0 [sflag:s29], $0x4000  }
0x32: {  	s24 =	simm.s32 @!p0 $0x280;
	[sflag:s29] =	ssyncset.done @!p0 $0x0  }
0x33: {  	s25 =	simm.s32 @!p0 $0x7400;
	s28 =	simm.s32 @!p0 $0x3;
	[sflag:s29] =	ssyncadd.s32 @!p0 $0xFFFFC000  }
0x34: {  	[tilespmem:s25], [sflag:$0x2] =	stream.indirect.gather @!p0 [hbm4b:s2+s26], $0x80, s24, s26, $0xb8;
	[tilespmem:$0x13400] =	vst v63  }
0x35: {  	_ =	swait.ge @!p0 [sflag:s28], $0x4000  }
0x36: {  	s29 =	simm.s32 @!p0 $0x7;
	[sflag:s28] =	ssyncset.done @!p0 $0x0  }
0x37: {  	s24 =	simm.s32 @!p0 $0x0;
	s25 =	simm.s32 @!p0 $0xB400;
	[sflag:s28] =	ssyncadd.s32 @!p0 $0xFFFFC000  }
0x38: {  	[hbm4b:s7+s24] =	stream.linear.scatter @!p0 [tilespmem:s25], [sflag:$0x7], $0x4000, $0x38;
	[tilespmem:$0x13400] =	vst v63  }
0x39: {  	_ =	swait.ge @!p0 [sflag:s29], $0x4000  }
0x3a: {  	p1 =	por $0x0, $0x0;
	[sflag:s29] =	ssyncset.done @!p0 $0x0  }
0x3b: {  	s30 =	smov.u32 s8;
	s24 =	simm.s32 @!p0 $0x300;
	[sflag:s29] =	ssyncadd.s32 @!p0 $0xFFFFC000  }
0x3c: {  	[tilespmem:s25], [sflag:$0x3] =	stream.indirect.gather @!p0 [hbm4b:s2+s26], $0x80, s24, s26, $0xb8;
	[tilespmem:$0x13400] =	vst v63  }
0x3d: {  	s28 =	simm.s32 $0x800;
	s29 =	simm.s32 $0x1000;
	s25 =	sadd.s32 $0x2000, s7  }
0x3e: {  	s24 =	sadd.s32 $0x2000, s8;
	s26 =	sadd.s32 $0x2000, s6;
	_ =	swait.ge [sflag:s18], $0x4000  }
.LBB2_2:
0x3f: {  	[sflag:s18] =	ssyncset.done $0x0  }
0x40: {  	s31 =	simm.s32 @!p1 $0x8;
	[sflag:s18] =	ssyncadd.s32 $0xFFFFC000  }
0x41: {  	[hbm4b:s30+s3] =	stream.linear.scatter [tilespmem:s15], [sflag:$0x8], $0x4000, $0x38;
	[tilespmem:$0x13400] =	vst v63  }
0x42: {  	_ =	swait.ge @!p1 [sflag:s31], $0x4000  }
0x43: {  	s0 =	sshra.s32 s28, $0x2;
	[sflag:s31] =	ssyncset.done @!p1 $0x0  }
0x44: {  	s0 =	sadd.s32 $0x180, s0;
	[sflag:s31] =	ssyncadd.s32 @!p1 $0xFFFFC000  }
0x45: {  	[tilespmem:s15], [sflag:$0x4] =	stream.indirect.gather [hbm4b:s2+s10], $0x80, s0, s10, $0xb8;
	[tilespmem:$0x13400] =	vst v63  }
0x46: {  	_ =	swait.ge [sflag:s16], $0x4000  }
0x47: {  	p1 =	seq.s32 s28, $0xC800;
	[sflag:s16] =	ssyncset.done $0x0  }
0x48: {  	s0 =	simm.s32 @!p1 $0x5;
	[sflag:s16] =	ssyncadd.s32 $0xFFFFC000  }
0x49: {  	[hbm4b:s26+s3] =	stream.linear.scatter [tilespmem:s11], [sflag:$0x5], $0x4000, $0x38;
	[tilespmem:$0x13400] =	vst v63  }
0x4a: {  	_ =	swait.ge @!p1 [sflag:s0], $0x4000  }
0x4b: {  	s28 =	sshra.s32 @!p1 s28, $0x2;
	s14 =	simm.s32 @!p1 $0x80;
	[sflag:s0] =	ssyncset.done @!p1 $0x0  }
0x4c: {  	s4 =	simm.s32 @!p1 $0x3400;
	s31 =	sadd.s32 @!p1 $0x200, s28;
	[sflag:s0] =	ssyncadd.s32 @!p1 $0xFFFFC000  }
0x4d: {  	[tilespmem:s4], [sflag:$0x1] =	stream.indirect.gather @!p1 [hbm4b:s2+s14], $0x80, s31, s14, $0xb8;
	[tilespmem:$0x13400] =	vst v63  }
0x4e: {  	_ =	swait.ge [sflag:s17], $0x4000  }
0x4f: {  	s1 =	smov.u32 s29;
	s5 =	simm.s32 @!p1 $0x6;
	[sflag:s17] =	ssyncset.done $0x0  }
0x50: {  	s31 =	sadd.s32 $0xFFFFF800, s25;
	s4 =	simm.s32 @p1 $0x3;
	[sflag:s17] =	ssyncadd.s32 $0xFFFFC000  }
0x51: {  	[hbm4b:s31+s3] =	stream.linear.scatter [tilespmem:s12], [sflag:$0x6], $0x4000, $0x38;
	[tilespmem:$0x13400] =	vst v63  }
0x52: {  	s13 =	sadd.s32 @!p1 $0x280, s28;
	s0 =	sadd.s32 @!p1 $0x300, s28;
	_ =	swait.ge @p1 [sflag:s4], $0x4000  }
0x53: {  	s28 =	smov.u32 s1;
	s31 =	simm.s32 @p1 $0xB400;
	[sflag:s4] =	ssyncset.done @p1 $0x0  }
0x54: {  	s1 =	rddreg [dreg:$0x4];
	[sflag:s4] =	ssyncadd.s32 @p1 $0xFFFFC000;
	s4 =	simm.s32 @p1 $0x0  }
0x55: {  	[hbm4b:s1+s4] =	stream.linear.scatter @p1 [tilespmem:s31], [sflag:$0x7], $0x4000, $0x38;
	[tilespmem:$0x13400] =	vst v63  }
0x56: {  	_ =	swait.ge @!p1 [sflag:s5], $0x4000  }
0x57: {  	[sflag:s5] =	ssyncset.done @!p1 $0x0  }
0x58: {  	s1 =	simm.s32 @!p1 $0x7400;
	s4 =	simm.s32 @!p1 $0x3;
	[sflag:s5] =	ssyncadd.s32 @!p1 $0xFFFFC000  }
0x59: {  	[tilespmem:s1], [sflag:$0x2] =	stream.indirect.gather @!p1 [hbm4b:s2+s14], $0x80, s13, s14, $0xb8;
	[tilespmem:$0x13400] =	vst v63  }
0x5a: {  	s29 =	sadd.s32 $0x800, s29;
	_ =	swait.ge @!p1 [sflag:s4], $0x4000  }
0x5b: {  	p0 =	sne.s32 s29, $0xD000;
	s5 =	simm.s32 @!p1 $0xB400;
	[sflag:s4] =	ssyncset.done @!p1 $0x0  }
0x5c: {  	s1 =	simm.s32 @!p1 $0x0;
	[sflag:s4] =	ssyncadd.s32 @!p1 $0xFFFFC000;
	s4 =	simm.s32 @!p1 $0x7  }
0x5d: {  	[hbm4b:s25+s1] =	stream.linear.scatter @!p1 [tilespmem:s5], [sflag:$0x7], $0x4000, $0x38;
	[tilespmem:$0x13400] =	vst v63  }
.Ltmp0:
0x5e: {  	_ =	swait.ge @!p1 [sflag:s4], $0x4000;
	(pc) =	sbr.rel @p0 .LBB2_2-.Ltmp0, $4  }
0x5f: {  	s30 =	smov.u32 s24;
	[sflag:s4] =	ssyncset.done @!p1 $0x0  }
0x60: {  	s24 =	sadd.s32 $0x2000, s24;
	s26 =	sadd.s32 $0x2000, s26;
	[sflag:s4] =	ssyncadd.s32 @!p1 $0xFFFFC000  }
0x61: {  	[tilespmem:s5], [sflag:$0x3] =	stream.indirect.gather @!p1 [hbm4b:s2+s14], $0x80, s0, s14, $0xb8;
	[tilespmem:$0x13400] =	vst v63  }
0x62: {  	s25 =	sadd.s32 $0x2000, s25;
	p1 =	seq.s32 s28, $0x0;
	_ =	swait.ge [sflag:s18], $0x4000  }
0x63: {  	[sflag:s18] =	ssyncset.done $0x0  }
0x64: {  	s0 =	simm.s32 @!p1 $0x8;
	[sflag:s18] =	ssyncadd.s32 $0xFFFFC000  }
0x65: {  	[hbm4b:s30+s3] =	stream.linear.scatter [tilespmem:s15], [sflag:$0x8], $0x4000, $0x38;
	[tilespmem:$0x13400] =	vst v63  }
0x66: {  	_ =	swait.ge @!p1 [sflag:s0], $0x4000  }
0x67: {  	s1 =	sshra.s32 s28, $0x2;
	[sflag:s0] =	ssyncset.done @!p1 $0x0  }
0x68: {  	s1 =	sadd.s32 $0x180, s1;
	[sflag:s0] =	ssyncadd.s32 @!p1 $0xFFFFC000  }
0x69: {  	[tilespmem:s15], [sflag:$0x4] =	stream.indirect.gather [hbm4b:s2+s10], $0x80, s1, s10, $0xb8;
	[tilespmem:$0x13400] =	vst v63  }
0x6a: {  	_ =	swait.ge [sflag:s16], $0x4000  }
0x6b: {  	p0 =	seq.s32 s28, $0xC800;
	[sflag:s16] =	ssyncset.done $0x0  }
0x6c: {  	s0 =	simm.s32 @!p0 $0x5;
	[sflag:s16] =	ssyncadd.s32 $0xFFFFC000  }
0x6d: {  	[hbm4b:s26+s3] =	stream.linear.scatter [tilespmem:s11], [sflag:$0x5], $0x4000, $0x38;
	[tilespmem:$0x13400] =	vst v63  }
0x6e: {  	_ =	swait.ge @!p0 [sflag:s0], $0x4000  }
0x6f: {  	s5 =	simm.s32 @!p0 $0x80;
	s1 =	sshra.s32 @!p0 s28, $0x2;
	[sflag:s0] =	ssyncset.done @!p0 $0x0  }
0x70: {  	s13 =	simm.s32 @!p0 $0x3400;
	s4 =	sadd.s32 @!p0 $0x200, s1;
	[sflag:s0] =	ssyncadd.s32 @!p0 $0xFFFFC000  }
0x71: {  	[tilespmem:s13], [sflag:$0x1] =	stream.indirect.gather @!p0 [hbm4b:s2+s5], $0x80, s4, s5, $0xb8;
	[tilespmem:$0x13400] =	vst v63  }
0x72: {  	_ =	swait.ge [sflag:s17], $0x4000  }
0x73: {  	[sflag:s17] =	ssyncset.done $0x0  }
0x74: {  	s30 =	sadd.s32 $0xFFFFF800, s25;
	s4 =	simm.s32 @p0 $0x3;
	[sflag:s17] =	ssyncadd.s32 $0xFFFFC000  }
0x75: {  	[hbm4b:s30+s3] =	stream.linear.scatter [tilespmem:s12], [sflag:$0x6], $0x4000, $0x38;
	[tilespmem:$0x13400] =	vst v63  }
0x76: {  	_ =	swait.ge @p0 [sflag:s4], $0x4000  }
0x77: {  	s14 =	simm.s32 @!p0 $0x6;
	s13 =	simm.s32 @p0 $0xB400;
	[sflag:s4] =	ssyncset.done @p0 $0x0  }
0x78: {  	s0 =	rddreg [dreg:$0x4];
	[sflag:s4] =	ssyncadd.s32 @p0 $0xFFFFC000;
	s4 =	simm.s32 @p0 $0x0  }
0x79: {  	[hbm4b:s0+s4] =	stream.linear.scatter @p0 [tilespmem:s13], [sflag:$0x7], $0x4000, $0x38;
	[tilespmem:$0x13400] =	vst v63  }
0x7a: {  	_ =	swait.ge @!p0 [sflag:s14], $0x4000  }
0x7b: {  	s0 =	sadd.s32 @!p0 $0x280, s1;
	[sflag:s14] =	ssyncset.done @!p0 $0x0  }
0x7c: {  	s4 =	simm.s32 @!p0 $0x7400;
	s13 =	simm.s32 @!p0 $0x3;
	[sflag:s14] =	ssyncadd.s32 @!p0 $0xFFFFC000  }
0x7d: {  	[tilespmem:s4], [sflag:$0x2] =	stream.indirect.gather @!p0 [hbm4b:s2+s5], $0x80, s0, s5, $0xb8;
	[tilespmem:$0x13400] =	vst v63  }
0x7e: {  	_ =	swait.ge @!p0 [sflag:s13], $0x4000  }
0x7f: {  	s0 =	simm.s32 @!p0 $0x0;
	[sflag:s13] =	ssyncset.done @!p0 $0x0  }
0x80: {  	s4 =	simm.s32 @!p0 $0xB400;
	[sflag:s13] =	ssyncadd.s32 @!p0 $0xFFFFC000;
	s13 =	simm.s32 @!p0 $0x7  }
0x81: {  	[hbm4b:s25+s0] =	stream.linear.scatter @!p0 [tilespmem:s4], [sflag:$0x7], $0x4000, $0x38;
	[tilespmem:$0x13400] =	vst v63  }
0x82: {  	_ =	swait.ge @!p0 [sflag:s13], $0x4000  }
0x83: {  	[sflag:s13] =	ssyncset.done @!p0 $0x0  }
0x84: {  	s0 =	sadd.s32 @!p0 $0x300, s1;
	[sflag:s13] =	ssyncadd.s32 @!p0 $0xFFFFC000  }
0x85: {  	[tilespmem:s4], [sflag:$0x3] =	stream.indirect.gather @!p0 [hbm4b:s2+s5], $0x80, s0, s5, $0xb8;
	[tilespmem:$0x13400] =	vst v63  }
0x86: {  	_ =	swait.ge [sflag:s18], $0x4000  }
0x87: {  	[sflag:s18] =	ssyncset.done $0x0  }
0x88: {  	[sflag:s18] =	ssyncadd.s32 $0xFFFFC000  }
0x89: {  	[hbm4b:s24+s3] =	stream.linear.scatter [tilespmem:s15], [sflag:$0x8], $0x4000, $0x38;
	[tilespmem:$0x13400] =	vst v63  }
0x8a: {  	_ =	swait.ge [sflag:s19], $0x4000  }
0x8b: {  	[sflag:s19] =	ssyncset.done $0x0  }
0x8c: {  	[sflag:s19] =	ssyncadd.s32 $0xFFFFC000  }
0x8d: {  	_ =	swait.ge [sflag:s20], $0x4000  }
0x8e: {  	[sflag:s20] =	ssyncset.done $0x0  }
0x8f: {  	[sflag:s20] =	ssyncadd.s32 $0xFFFFC000  }
0x90: {  	_ =	swait.ge [sflag:s21], $0x4000  }
0x91: {  	[sflag:s21] =	ssyncset.done $0x0  }
0x92: {  	[sflag:s21] =	ssyncadd.s32 $0xFFFFC000  }
0x93: {  	_ =	swait.ge [sflag:s22], $0x4000  }
0x94: {  	s23 =	sadd.s32 $0x1, s23;
	s31 =	rddreg [dreg:$0x6]  }
0x95: {  	p0 =	sne.s32 s23, s31  }
.Ltmp1:
0x96: {  	_ = 	snop;
	(pc) =	sbr.rel @p0 .LBB2_1-.Ltmp1, $3  }
0x97: {  	_ =	sdelay $0x1  }
0x98: {  	[sflag:s22] =	ssyncset.done $0x0  }
0x99: {  	[sflag:s22] =	ssyncadd.s32 $0xFFFFC000  }
0x9a: {  	_ =	sfence.sel $0x180000  }
0x9b: {  	[bflag:$0x0] =	sbarrier.arrive $0xFFFF  }
0x9c: {  	_ =	strace $0x90000047  }
0x9d: {  	s0 =	stileid.u32;
	[bflag:$0x2] =	sbarrier.arrive $0xFFFF  }
0x9e: {  	p0 =	sne.s32 s0, $0x0;
	s0 =	rddreg [dreg:$0x3]  }
0x9f: {  	s0 =	sadd.s32 @!p0 $0x100000, s0  }
0xa0: {  	[sflag:s0] =	ssyncadd.tile.s32 @!p0 $0x1;
	_ =	shalt  }
.Lfunc_end2:
_tile_overlayer_lowered:
.L_overlay_start_2:
0xa1: {  	(tag) =	ssettag $0x2  }
0xa2: {  	s0 =	rddreg [dreg:$0x0];
	s2 =	stileid.u32  }
0xa3: {  	s1 =	rddreg [dreg:$0x1];
	p0 =	sne.s32 s2, $0x0  }
0xa4: {  	s3 =	rddreg [dreg:$0x2];
	[bflag:$0x3] =	sbarrier.arrive $0xFFFF;
	s2 =	simm.s32 @!p0 $0x1C09  }
0xa5: {  	[timem:s3], [sflag:s2] =	dma.local @!p0 [hbm:s0], s1  }
0xa6: {  	s0 =	simm.s32 @!p0 $0x9  }
0xa7: {  	_ =	swait.ge @!p0 [sflag:s0], s1  }
0xa8: {  	s1 =	ssub.s32 @!p0 $0x0, s1;
	[sflag:s0] =	ssyncset.done @!p0 $0x0  }
0xa9: {  	[sflag:s0] =	ssyncadd.s32 @!p0 s1  }
0xaa: {  	[bflag:$0x3] =	sbarrier.arrive $0xFFFF  }
0xab: {  	_ =	shalt  }

</sc_bundles>
